<compile_context>
chip_gen: v7x
topology: tpu7x:2x2x1
jax: 0.10.2.dev20260603
libtpu: 0.0.44.dev20260713+nightly
codegen_flags: <defaults>
</compile_context>

<pallas_src>
import jax
import jax.numpy as jnp
from jax import lax
from jax.experimental import pallas as pl
from jax.experimental.pallas import tpu as pltpu
from jax.experimental.pallas import tpu_sc as plsc

_R, _C = 200, 16384
_NW = 32
_COLS_W = _C // _NW
_CCH = 128
_NCHUNK = _COLS_W // _CCH
_LANES = 16


def _sc_body(x_hbm, out_hbm, xin0, xin1, outb0, outb1,
             sin0, sin1, sout0, sout1):
    c = lax.axis_index("c")
    s = lax.axis_index("s")
    wid = s * 2 + c
    cbase = wid * _COLS_W

    xin = (xin0, xin1)
    outb = (outb0, outb1)
    sin = (sin0, sin1)
    sout = (sout0, sout1)

    def in_slice(k):
        return x_hbm.at[:, pl.ds(cbase + k * _CCH, _CCH)]

    def out_slice(k):
        return out_hbm.at[:, pl.ds(cbase + k * _CCH, _CCH)]

    pltpu.async_copy(in_slice(0), xin0, sin0)
    pltpu.async_copy(in_slice(1), xin1, sin1)

    def chunk_pair(j, carry):
        for b in range(2):
            k = j * 2 + b
            pltpu.make_async_copy(in_slice(k), xin[b], sin[b]).wait()

            @pl.when(j > 0)
            def _():
                pltpu.make_async_copy(outb[b], out_slice(k - 2),
                                      sout[b]).wait()

            src = xin[b]
            dst = outb[b]

            @plsc.parallel_loop(0, _R, step=1, unroll=4)
            def _(r):
                for col in range(0, _CCH, _LANES):
                    xv = src[r, pl.ds(col, _LANES)]
                    dst[r, pl.ds(col, _LANES)] = (1 - (xv << 1)).astype(
                        jnp.float32)

            pltpu.async_copy(outb[b], out_slice(k), sout[b])

            @pl.when(k + 2 < _NCHUNK)
            def _():
                pltpu.async_copy(in_slice(k + 2), xin[b], sin[b])

        return carry

    lax.fori_loop(0, _NCHUNK // 2, chunk_pair, 0)

    for b in range(2):
        k = _NCHUNK - 2 + b
        pltpu.make_async_copy(outb[b], out_slice(k), sout[b]).wait()


@jax.jit
def kernel(x):
    xt = x.astype(jnp.int32).T
    mesh = plsc.VectorSubcoreMesh(core_axis_name="c", subcore_axis_name="s")
    f = pl.kernel(
        _sc_body,
        out_type=jax.ShapeDtypeStruct((_R, _C), jnp.float32),
        mesh=mesh,
        scratch_types=[
            pltpu.VMEM((_R, _CCH), jnp.int32),
            pltpu.VMEM((_R, _CCH), jnp.int32),
            pltpu.VMEM((_R, _CCH), jnp.float32),
            pltpu.VMEM((_R, _CCH), jnp.float32),
            pltpu.SemaphoreType.DMA,
            pltpu.SemaphoreType.DMA,
            pltpu.SemaphoreType.DMA,
            pltpu.SemaphoreType.DMA,
        ],
    )
    return f(xt).T

# --- scband reference (transcript-rebuilt; emitter-appended) ---
"""Pipeline reference for scband-modulating-317827580585 (READ-ONLY COPY).

The authoritative reference and input builder live on the scoring server;
editing this copy changes nothing except your own understanding.
"""

import jax, jax.numpy as jnp
import numpy as np


def setup_inputs(seed: int = 0) -> dict:
    key = jax.random.key(seed)
    x = jax.random.randint(key, (16384, 200), 0, 2, dtype=jnp.int64)
    return {"x": x}


def reference(x):
    m = jnp.arange(0, 2)
    constellation = jnp.cos(m / 2 * 2 * np.pi)
    mod_bits = jnp.take(constellation, x.astype(jnp.int32))
    return mod_bits

if __name__ == "__main__":
    import jax
    _d = setup_inputs()
    print(jax.jit(kernel)(*tuple(_d.values())))

</pallas_src>

<mosaic_0001>
#map = affine_map<(d0, d1) -> (0, 0)>
module attributes {stable_mosaic.version = 14 : i64} {
  func.func @_sc_body(%arg0: i32, %arg1: i32, %arg2: memref<200x16384xi32, #tpu.memory_space<hbm>>, %arg3: memref<200x16384xf32, #tpu.memory_space<hbm>>, %arg4: memref<200x128xi32, #tpu.memory_space<vmem>>, %arg5: memref<200x128xi32, #tpu.memory_space<vmem>>, %arg6: memref<200x128xf32, #tpu.memory_space<vmem>>, %arg7: memref<200x128xf32, #tpu.memory_space<vmem>>, %arg8: memref<!tpu.dma_semaphore, #tpu.memory_space<semaphore_mem>>, %arg9: memref<!tpu.dma_semaphore, #tpu.memory_space<semaphore_mem>>, %arg10: memref<!tpu.dma_semaphore, #tpu.memory_space<semaphore_mem>>, %arg11: memref<!tpu.dma_semaphore, #tpu.memory_space<semaphore_mem>>) attributes {dimension_semantics = [#tpu.dimension_semantics<core_parallel>, #tpu.dimension_semantics<subcore_parallel>], iteration_bounds = array<i64: 2, 16>, scalar_prefetch = 0 : i64, scratch_operands = 8 : i64, tpu.core_type = #tpu.core_type<sc_vector_subcore>, window_params = [{transform_indices = #map}, {transform_indices = #map}]} {
    %mul3A = arith.constant 2 : i32
    %mul3A_0 = arith.muli %arg1, %mul3A : i32
    %add3A = arith.addi %mul3A_0, %arg0 : i32
    %mul3A_1 = arith.constant 512 : i32
    %mul3A_2 = arith.muli %add3A, %mul3A_1 : i32
    %add3A_3 = arith.constant 0 : i32
    %add3A_4 = arith.addi %mul3A_2, %add3A_3 : i32
    %dma_start3A = arith.constant 0 : i32
    %dma_start3A_5 = tpu.memref_slice %arg2[%dma_start3A, %add3A_4] : memref<200x16384xi32, #tpu.memory_space<hbm>> -> memref<200x128xi32, #tpu.memory_space<hbm>>
    %dma_start3A_6 = arith.constant 0 : i32
    %dma_start3A_7 = tpu.memref_slice %arg2[%dma_start3A_6, %add3A_4] : memref<200x16384xi32, #tpu.memory_space<hbm>> -> memref<200x128xi32, #tpu.memory_space<hbm>>
    tpu.enqueue_dma source(%dma_start3A_7 : memref<200x128xi32, #tpu.memory_space<hbm>>) target(%arg4 : memref<200x128xi32, #tpu.memory_space<vmem>>) target_semaphore(%arg8 : memref<!tpu.dma_semaphore, #tpu.memory_space<semaphore_mem>>)
    %add3A_8 = arith.constant 128 : i32
    %add3A_9 = arith.addi %mul3A_2, %add3A_8 : i32
    %dma_start3A_10 = arith.constant 0 : i32
    %dma_start3A_11 = tpu.memref_slice %arg2[%dma_start3A_10, %add3A_9] : memref<200x16384xi32, #tpu.memory_space<hbm>> -> memref<200x128xi32, #tpu.memory_space<hbm>>
    %dma_start3A_12 = arith.constant 0 : i32
    %dma_start3A_13 = tpu.memref_slice %arg2[%dma_start3A_12, %add3A_9] : memref<200x16384xi32, #tpu.memory_space<hbm>> -> memref<200x128xi32, #tpu.memory_space<hbm>>
    tpu.enqueue_dma source(%dma_start3A_13 : memref<200x128xi32, #tpu.memory_space<hbm>>) target(%arg5 : memref<200x128xi32, #tpu.memory_space<vmem>>) target_semaphore(%arg9 : memref<!tpu.dma_semaphore, #tpu.memory_space<semaphore_mem>>)
    %scan3A = arith.constant 0 : i32
    %scan3A_14 = arith.constant 0 : i32
    %scan3A_15 = arith.constant 2 : i32
    %scan3A_16 = arith.addi %scan3A_14, %scan3A_15 : i32
    %scan3A_17 = arith.constant 1 : i32
    scf.for %scan3A_30 = %scan3A_14 to %scan3A_16 step %scan3A_17  : i32 {
      %mul3A_31 = arith.constant 2 : i32
      %mul3A_32 = arith.muli %scan3A_30, %mul3A_31 : i32
      %add3A_33 = arith.constant 0 : i32
      %add3A_34 = arith.addi %mul3A_32, %add3A_33 : i32
      %mul3A_35 = arith.constant 128 : i32
      %mul3A_36 = arith.muli %add3A_34, %mul3A_35 : i32
      %add3A_37 = arith.addi %mul3A_2, %mul3A_36 : i32
      %dma_wait3A_38 = arith.constant 0 : i32
      %dma_wait3A_39 = tpu.memref_slice %arg2[%dma_wait3A_38, %add3A_37] : memref<200x16384xi32, #tpu.memory_space<hbm>> -> memref<200x128xi32, #tpu.memory_space<hbm>>
      %dma_wait3A_40 = arith.constant 0 : i32
      %dma_wait3A_41 = tpu.memref_slice %arg2[%dma_wait3A_40, %add3A_37] : memref<200x16384xi32, #tpu.memory_space<hbm>> -> memref<200x128xi32, #tpu.memory_space<hbm>>
      tpu.wait_dma2 semaphore(%arg8 : memref<!tpu.dma_semaphore, #tpu.memory_space<semaphore_mem>>) src(%dma_wait3A_41 : memref<200x128xi32, #tpu.memory_space<hbm>>) dst(%arg4 : memref<200x128xi32, #tpu.memory_space<vmem>>)
      %gt3A = arith.constant 0 : i32
      %gt3A_42 = arith.cmpi sgt, %scan3A_30, %gt3A : i32
      %convert_element_type3A = arith.extui %gt3A_42 : i1 to i32
      %cond3A = arith.constant 0 : i32
      %cond3A_43 = arith.cmpi ne, %convert_element_type3A, %cond3A : i32
      scf.if %cond3A_43 {
        %sub3A = arith.constant 2 : i32
        %sub3A_92 = arith.subi %add3A_34, %sub3A : i32
        %mul3A_93 = arith.constant 128 : i32
        %mul3A_94 = arith.muli %sub3A_92, %mul3A_93 : i32
        %add3A_95 = arith.addi %mul3A_2, %mul3A_94 : i32
        %dma_wait3A_96 = arith.constant 0 : i32
        %dma_wait3A_97 = tpu.memref_slice %arg3[%dma_wait3A_96, %add3A_95] : memref<200x16384xf32, #tpu.memory_space<hbm>> -> memref<200x128xf32, #tpu.memory_space<hbm>>
        %dma_wait3A_98 = arith.constant 0 : i32
        %dma_wait3A_99 = tpu.memref_slice %arg3[%dma_wait3A_98, %add3A_95] : memref<200x16384xf32, #tpu.memory_space<hbm>> -> memref<200x128xf32, #tpu.memory_space<hbm>>
        tpu.wait_dma2 semaphore(%arg10 : memref<!tpu.dma_semaphore, #tpu.memory_space<semaphore_mem>>) src(%arg6 : memref<200x128xf32, #tpu.memory_space<vmem>>) dst(%dma_wait3A_99 : memref<200x128xf32, #tpu.memory_space<hbm>>)
      } else {
      }
      %parallel_loop3A = arith.constant 0 : i32
      %parallel_loop3A_44 = arith.constant 200 : i32
      %parallel_loop3A_45 = arith.constant 1 : i32
      scf.for %parallel_loop3A_92 = %parallel_loop3A to %parallel_loop3A_44 step %parallel_loop3A_45  : i32 {
        %parallel_loop3A_93 = arith.index_cast %parallel_loop3A_92 : i32 to index
        %parallel_loop3A_94 = arith.constant 0 : index
        %parallel_loop3A_95 = tpu.vector_load %arg4[%parallel_loop3A_93, %parallel_loop3A_94] {strides = array<i32>} : memref<200x128xi32, #tpu.memory_space<vmem>>, vector<1x16xi32>,
        %parallel_loop3A_96 = vector.shape_cast %parallel_loop3A_95 : vector<1x16xi32> to vector<16xi32>
        %parallel_loop3A_97 = arith.constant 1 : i32
        %parallel_loop3A_98 = vector.broadcast %parallel_loop3A_97 : i32 to vector<16xi32>
        %parallel_loop3A_99 = arith.shli %parallel_loop3A_96, %parallel_loop3A_98 : vector<16xi32>
        %parallel_loop3A_100 = arith.constant 1 : i32
        %parallel_loop3A_101 = vector.broadcast %parallel_loop3A_100 : i32 to vector<16xi32>
        %parallel_loop3A_102 = arith.subi %parallel_loop3A_101, %parallel_loop3A_99 : vector<16xi32>
        %parallel_loop3A_103 = arith.sitofp %parallel_loop3A_102 : vector<16xi32> to vector<16xf32>
        %parallel_loop3A_104 = arith.index_cast %parallel_loop3A_92 : i32 to index
        %parallel_loop3A_105 = arith.constant 0 : index
        %parallel_loop3A_106 = tpu.vector_load %arg6[%parallel_loop3A_104, %parallel_loop3A_105] {strides = array<i32>} : memref<200x128xf32, #tpu.memory_space<vmem>>, vector<1x16xf32>,
        %parallel_loop3A_107 = vector.shape_cast %parallel_loop3A_106 : vector<1x16xf32> to vector<16xf32>
        %parallel_loop3A_108 = vector.shape_cast %parallel_loop3A_103 : vector<16xf32> to vector<1x16xf32>
        tpu.vector_store %arg6[%parallel_loop3A_104, %parallel_loop3A_105], %parallel_loop3A_108 {strides = array<i32>} : memref<200x128xf32, #tpu.memory_space<vmem>>, vector<1x16xf32>,
        %parallel_loop3A_109 = arith.index_cast %parallel_loop3A_92 : i32 to index
        %parallel_loop3A_110 = arith.constant 16 : index
        %parallel_loop3A_111 = tpu.vector_load %arg4[%parallel_loop3A_109, %parallel_loop3A_110] {strides = array<i32>} : memref<200x128xi32, #tpu.memory_space<vmem>>, vector<1x16xi32>,
        %parallel_loop3A_112 = vector.shape_cast %parallel_loop3A_111 : vector<1x16xi32> to vector<16xi32>
        %parallel_loop3A_113 = arith.constant 1 : i32
        %parallel_loop3A_114 = vector.broadcast %parallel_loop3A_113 : i32 to vector<16xi32>
        %parallel_loop3A_115 = arith.shli %parallel_loop3A_112, %parallel_loop3A_114 : vector<16xi32>
        %parallel_loop3A_116 = arith.constant 1 : i32
        %parallel_loop3A_117 = vector.broadcast %parallel_loop3A_116 : i32 to vector<16xi32>
        %parallel_loop3A_118 = arith.subi %parallel_loop3A_117, %parallel_loop3A_115 : vector<16xi32>
        %parallel_loop3A_119 = arith.sitofp %parallel_loop3A_118 : vector<16xi32> to vector<16xf32>
        %parallel_loop3A_120 = arith.index_cast %parallel_loop3A_92 : i32 to index
        %parallel_loop3A_121 = arith.constant 16 : index
        %parallel_loop3A_122 = tpu.vector_load %arg6[%parallel_loop3A_120, %parallel_loop3A_121] {strides = array<i32>} : memref<200x128xf32, #tpu.memory_space<vmem>>, vector<1x16xf32>,
        %parallel_loop3A_123 = vector.shape_cast %parallel_loop3A_122 : vector<1x16xf32> to vector<16xf32>
        %parallel_loop3A_124 = vector.shape_cast %parallel_loop3A_119 : vector<16xf32> to vector<1x16xf32>
        tpu.vector_store %arg6[%parallel_loop3A_120, %parallel_loop3A_121], %parallel_loop3A_124 {strides = array<i32>} : memref<200x128xf32, #tpu.memory_space<vmem>>, vector<1x16xf32>,
        %parallel_loop3A_125 = arith.index_cast %parallel_loop3A_92 : i32 to index
        %parallel_loop3A_126 = arith.constant 32 : index
        %parallel_loop3A_127 = tpu.vector_load %arg4[%parallel_loop3A_125, %parallel_loop3A_126] {strides = array<i32>} : memref<200x128xi32, #tpu.memory_space<vmem>>, vector<1x16xi32>,
        %parallel_loop3A_128 = vector.shape_cast %parallel_loop3A_127 : vector<1x16xi32> to vector<16xi32>
        %parallel_loop3A_129 = arith.constant 1 : i32
        %parallel_loop3A_130 = vector.broadcast %parallel_loop3A_129 : i32 to vector<16xi32>
        %parallel_loop3A_131 = arith.shli %parallel_loop3A_128, %parallel_loop3A_130 : vector<16xi32>
        %parallel_loop3A_132 = arith.constant 1 : i32
        %parallel_loop3A_133 = vector.broadcast %parallel_loop3A_132 : i32 to vector<16xi32>
        %parallel_loop3A_134 = arith.subi %parallel_loop3A_133, %parallel_loop3A_131 : vector<16xi32>
        %parallel_loop3A_135 = arith.sitofp %parallel_loop3A_134 : vector<16xi32> to vector<16xf32>
        %parallel_loop3A_136 = arith.index_cast %parallel_loop3A_92 : i32 to index
        %parallel_loop3A_137 = arith.constant 32 : index
        %parallel_loop3A_138 = tpu.vector_load %arg6[%parallel_loop3A_136, %parallel_loop3A_137] {strides = array<i32>} : memref<200x128xf32, #tpu.memory_space<vmem>>, vector<1x16xf32>,
        %parallel_loop3A_139 = vector.shape_cast %parallel_loop3A_138 : vector<1x16xf32> to vector<16xf32>
        %parallel_loop3A_140 = vector.shape_cast %parallel_loop3A_135 : vector<16xf32> to vector<1x16xf32>
        tpu.vector_store %arg6[%parallel_loop3A_136, %parallel_loop3A_137], %parallel_loop3A_140 {strides = array<i32>} : memref<200x128xf32, #tpu.memory_space<vmem>>, vector<1x16xf32>,
        %parallel_loop3A_141 = arith.index_cast %parallel_loop3A_92 : i32 to index
        %parallel_loop3A_142 = arith.constant 48 : index
        %parallel_loop3A_143 = tpu.vector_load %arg4[%parallel_loop3A_141, %parallel_loop3A_142] {strides = array<i32>} : memref<200x128xi32, #tpu.memory_space<vmem>>, vector<1x16xi32>,
        %parallel_loop3A_144 = vector.shape_cast %parallel_loop3A_143 : vector<1x16xi32> to vector<16xi32>
        %parallel_loop3A_145 = arith.constant 1 : i32
        %parallel_loop3A_146 = vector.broadcast %parallel_loop3A_145 : i32 to vector<16xi32>
        %parallel_loop3A_147 = arith.shli %parallel_loop3A_144, %parallel_loop3A_146 : vector<16xi32>
        %parallel_loop3A_148 = arith.constant 1 : i32
        %parallel_loop3A_149 = vector.broadcast %parallel_loop3A_148 : i32 to vector<16xi32>
        %parallel_loop3A_150 = arith.subi %parallel_loop3A_149, %parallel_loop3A_147 : vector<16xi32>
        %parallel_loop3A_151 = arith.sitofp %parallel_loop3A_150 : vector<16xi32> to vector<16xf32>
        %parallel_loop3A_152 = arith.index_cast %parallel_loop3A_92 : i32 to index
        %parallel_loop3A_153 = arith.constant 48 : index
        %parallel_loop3A_154 = tpu.vector_load %arg6[%parallel_loop3A_152, %parallel_loop3A_153] {strides = array<i32>} : memref<200x128xf32, #tpu.memory_space<vmem>>, vector<1x16xf32>,
        %parallel_loop3A_155 = vector.shape_cast %parallel_loop3A_154 : vector<1x16xf32> to vector<16xf32>
        %parallel_loop3A_156 = vector.shape_cast %parallel_loop3A_151 : vector<16xf32> to vector<1x16xf32>
        tpu.vector_store %arg6[%parallel_loop3A_152, %parallel_loop3A_153], %parallel_loop3A_156 {strides = array<i32>} : memref<200x128xf32, #tpu.memory_space<vmem>>, vector<1x16xf32>,
        %parallel_loop3A_157 = arith.index_cast %parallel_loop3A_92 : i32 to index
        %parallel_loop3A_158 = arith.constant 64 : index
        %parallel_loop3A_159 = tpu.vector_load %arg4[%parallel_loop3A_157, %parallel_loop3A_158] {strides = array<i32>} : memref<200x128xi32, #tpu.memory_space<vmem>>, vector<1x16xi32>,
        %parallel_loop3A_160 = vector.shape_cast %parallel_loop3A_159 : vector<1x16xi32> to vector<16xi32>
        %parallel_loop3A_161 = arith.constant 1 : i32
        %parallel_loop3A_162 = vector.broadcast %parallel_loop3A_161 : i32 to vector<16xi32>
        %parallel_loop3A_163 = arith.shli %parallel_loop3A_160, %parallel_loop3A_162 : vector<16xi32>
        %parallel_loop3A_164 = arith.constant 1 : i32
        %parallel_loop3A_165 = vector.broadcast %parallel_loop3A_164 : i32 to vector<16xi32>
        %parallel_loop3A_166 = arith.subi %parallel_loop3A_165, %parallel_loop3A_163 : vector<16xi32>
        %parallel_loop3A_167 = arith.sitofp %parallel_loop3A_166 : vector<16xi32> to vector<16xf32>
        %parallel_loop3A_168 = arith.index_cast %parallel_loop3A_92 : i32 to index
        %parallel_loop3A_169 = arith.constant 64 : index
        %parallel_loop3A_170 = tpu.vector_load %arg6[%parallel_loop3A_168, %parallel_loop3A_169] {strides = array<i32>} : memref<200x128xf32, #tpu.memory_space<vmem>>, vector<1x16xf32>,
        %parallel_loop3A_171 = vector.shape_cast %parallel_loop3A_170 : vector<1x16xf32> to vector<16xf32>
        %parallel_loop3A_172 = vector.shape_cast %parallel_loop3A_167 : vector<16xf32> to vector<1x16xf32>
        tpu.vector_store %arg6[%parallel_loop3A_168, %parallel_loop3A_169], %parallel_loop3A_172 {strides = array<i32>} : memref<200x128xf32, #tpu.memory_space<vmem>>, vector<1x16xf32>,
        %parallel_loop3A_173 = arith.index_cast %parallel_loop3A_92 : i32 to index
        %parallel_loop3A_174 = arith.constant 80 : index
        %parallel_loop3A_175 = tpu.vector_load %arg4[%parallel_loop3A_173, %parallel_loop3A_174] {strides = array<i32>} : memref<200x128xi32, #tpu.memory_space<vmem>>, vector<1x16xi32>,
        %parallel_loop3A_176 = vector.shape_cast %parallel_loop3A_175 : vector<1x16xi32> to vector<16xi32>
        %parallel_loop3A_177 = arith.constant 1 : i32
        %parallel_loop3A_178 = vector.broadcast %parallel_loop3A_177 : i32 to vector<16xi32>
        %parallel_loop3A_179 = arith.shli %parallel_loop3A_176, %parallel_loop3A_178 : vector<16xi32>
        %parallel_loop3A_180 = arith.constant 1 : i32
        %parallel_loop3A_181 = vector.broadcast %parallel_loop3A_180 : i32 to vector<16xi32>
        %parallel_loop3A_182 = arith.subi %parallel_loop3A_181, %parallel_loop3A_179 : vector<16xi32>
        %parallel_loop3A_183 = arith.sitofp %parallel_loop3A_182 : vector<16xi32> to vector<16xf32>
        %parallel_loop3A_184 = arith.index_cast %parallel_loop3A_92 : i32 to index
        %parallel_loop3A_185 = arith.constant 80 : index
        %parallel_loop3A_186 = tpu.vector_load %arg6[%parallel_loop3A_184, %parallel_loop3A_185] {strides = array<i32>} : memref<200x128xf32, #tpu.memory_space<vmem>>, vector<1x16xf32>,
        %parallel_loop3A_187 = vector.shape_cast %parallel_loop3A_186 : vector<1x16xf32> to vector<16xf32>
        %parallel_loop3A_188 = vector.shape_cast %parallel_loop3A_183 : vector<16xf32> to vector<1x16xf32>
        tpu.vector_store %arg6[%parallel_loop3A_184, %parallel_loop3A_185], %parallel_loop3A_188 {strides = array<i32>} : memref<200x128xf32, #tpu.memory_space<vmem>>, vector<1x16xf32>,
        %parallel_loop3A_189 = arith.index_cast %parallel_loop3A_92 : i32 to index
        %parallel_loop3A_190 = arith.constant 96 : index
        %parallel_loop3A_191 = tpu.vector_load %arg4[%parallel_loop3A_189, %parallel_loop3A_190] {strides = array<i32>} : memref<200x128xi32, #tpu.memory_space<vmem>>, vector<1x16xi32>,
        %parallel_loop3A_192 = vector.shape_cast %parallel_loop3A_191 : vector<1x16xi32> to vector<16xi32>
        %parallel_loop3A_193 = arith.constant 1 : i32
        %parallel_loop3A_194 = vector.broadcast %parallel_loop3A_193 : i32 to vector<16xi32>
        %parallel_loop3A_195 = arith.shli %parallel_loop3A_192, %parallel_loop3A_194 : vector<16xi32>
        %parallel_loop3A_196 = arith.constant 1 : i32
        %parallel_loop3A_197 = vector.broadcast %parallel_loop3A_196 : i32 to vector<16xi32>
        %parallel_loop3A_198 = arith.subi %parallel_loop3A_197, %parallel_loop3A_195 : vector<16xi32>
        %parallel_loop3A_199 = arith.sitofp %parallel_loop3A_198 : vector<16xi32> to vector<16xf32>
        %parallel_loop3A_200 = arith.index_cast %parallel_loop3A_92 : i32 to index
        %parallel_loop3A_201 = arith.constant 96 : index
        %parallel_loop3A_202 = tpu.vector_load %arg6[%parallel_loop3A_200, %parallel_loop3A_201] {strides = array<i32>} : memref<200x128xf32, #tpu.memory_space<vmem>>, vector<1x16xf32>,
        %parallel_loop3A_203 = vector.shape_cast %parallel_loop3A_202 : vector<1x16xf32> to vector<16xf32>
        %parallel_loop3A_204 = vector.shape_cast %parallel_loop3A_199 : vector<16xf32> to vector<1x16xf32>
        tpu.vector_store %arg6[%parallel_loop3A_200, %parallel_loop3A_201], %parallel_loop3A_204 {strides = array<i32>} : memref<200x128xf32, #tpu.memory_space<vmem>>, vector<1x16xf32>,
        %parallel_loop3A_205 = arith.index_cast %parallel_loop3A_92 : i32 to index
        %parallel_loop3A_206 = arith.constant 112 : index
        %parallel_loop3A_207 = tpu.vector_load %arg4[%parallel_loop3A_205, %parallel_loop3A_206] {strides = array<i32>} : memref<200x128xi32, #tpu.memory_space<vmem>>, vector<1x16xi32>,
        %parallel_loop3A_208 = vector.shape_cast %parallel_loop3A_207 : vector<1x16xi32> to vector<16xi32>
        %parallel_loop3A_209 = arith.constant 1 : i32
        %parallel_loop3A_210 = vector.broadcast %parallel_loop3A_209 : i32 to vector<16xi32>
        %parallel_loop3A_211 = arith.shli %parallel_loop3A_208, %parallel_loop3A_210 : vector<16xi32>
        %parallel_loop3A_212 = arith.constant 1 : i32
        %parallel_loop3A_213 = vector.broadcast %parallel_loop3A_212 : i32 to vector<16xi32>
        %parallel_loop3A_214 = arith.subi %parallel_loop3A_213, %parallel_loop3A_211 : vector<16xi32>
        %parallel_loop3A_215 = arith.sitofp %parallel_loop3A_214 : vector<16xi32> to vector<16xf32>
        %parallel_loop3A_216 = arith.index_cast %parallel_loop3A_92 : i32 to index
        %parallel_loop3A_217 = arith.constant 112 : index
        %parallel_loop3A_218 = tpu.vector_load %arg6[%parallel_loop3A_216, %parallel_loop3A_217] {strides = array<i32>} : memref<200x128xf32, #tpu.memory_space<vmem>>, vector<1x16xf32>,
        %parallel_loop3A_219 = vector.shape_cast %parallel_loop3A_218 : vector<1x16xf32> to vector<16xf32>
        %parallel_loop3A_220 = vector.shape_cast %parallel_loop3A_215 : vector<16xf32> to vector<1x16xf32>
        tpu.vector_store %arg6[%parallel_loop3A_216, %parallel_loop3A_217], %parallel_loop3A_220 {strides = array<i32>} : memref<200x128xf32, #tpu.memory_space<vmem>>, vector<1x16xf32>,
      } {sc.loop_unroll_factor = 4 : i64, sc.parallel_access}
      %mul3A_46 = arith.constant 128 : i32
      %mul3A_47 = arith.muli %add3A_34, %mul3A_46 : i32
      %add3A_48 = arith.addi %mul3A_2, %mul3A_47 : i32
      %dma_start3A_49 = arith.constant 0 : i32
      %dma_start3A_50 = tpu.memref_slice %arg3[%dma_start3A_49, %add3A_48] : memref<200x16384xf32, #tpu.memory_space<hbm>> -> memref<200x128xf32, #tpu.memory_space<hbm>>
      %dma_start3A_51 = arith.constant 0 : i32
      %dma_start3A_52 = tpu.memref_slice %arg3[%dma_start3A_51, %add3A_48] : memref<200x16384xf32, #tpu.memory_space<hbm>> -> memref<200x128xf32, #tpu.memory_space<hbm>>
      tpu.enqueue_dma source(%arg6 : memref<200x128xf32, #tpu.memory_space<vmem>>) target(%dma_start3A_52 : memref<200x128xf32, #tpu.memory_space<hbm>>) target_semaphore(%arg10 : memref<!tpu.dma_semaphore, #tpu.memory_space<semaphore_mem>>)
      %add3A_53 = arith.constant 2 : i32
      %add3A_54 = arith.addi %add3A_34, %add3A_53 : i32
      %lt3A = arith.constant 4 : i32
      %lt3A_55 = arith.cmpi slt, %add3A_54, %lt3A : i32
      %convert_element_type3A_56 = arith.extui %lt3A_55 : i1 to i32
      %cond3A_57 = arith.constant 0 : i32
      %cond3A_58 = arith.cmpi ne, %convert_element_type3A_56, %cond3A_57 : i32
      scf.if %cond3A_58 {
        %add3A_92 = arith.constant 2 : i32
        %add3A_93 = arith.addi %add3A_34, %add3A_92 : i32
        %mul3A_94 = arith.constant 128 : i32
        %mul3A_95 = arith.muli %add3A_93, %mul3A_94 : i32
        %add3A_96 = arith.addi %mul3A_2, %mul3A_95 : i32
        %dma_start3A_97 = arith.constant 0 : i32
        %dma_start3A_98 = tpu.memref_slice %arg2[%dma_start3A_97, %add3A_96] : memref<200x16384xi32, #tpu.memory_space<hbm>> -> memref<200x128xi32, #tpu.memory_space<hbm>>
        %dma_start3A_99 = arith.constant 0 : i32
        %dma_start3A_100 = tpu.memref_slice %arg2[%dma_start3A_99, %add3A_96] : memref<200x16384xi32, #tpu.memory_space<hbm>> -> memref<200x128xi32, #tpu.memory_space<hbm>>
        tpu.enqueue_dma source(%dma_start3A_100 : memref<200x128xi32, #tpu.memory_space<hbm>>) target(%arg4 : memref<200x128xi32, #tpu.memory_space<vmem>>) target_semaphore(%arg8 : memref<!tpu.dma_semaphore, #tpu.memory_space<semaphore_mem>>)
      } else {
      }
      %mul3A_59 = arith.constant 2 : i32
      %mul3A_60 = arith.muli %scan3A_30, %mul3A_59 : i32
      %add3A_61 = arith.constant 1 : i32
      %add3A_62 = arith.addi %mul3A_60, %add3A_61 : i32
      %mul3A_63 = arith.constant 128 : i32
      %mul3A_64 = arith.muli %add3A_62, %mul3A_63 : i32
      %add3A_65 = arith.addi %mul3A_2, %mul3A_64 : i32
      %dma_wait3A_66 = arith.constant 0 : i32
      %dma_wait3A_67 = tpu.memref_slice %arg2[%dma_wait3A_66, %add3A_65] : memref<200x16384xi32, #tpu.memory_space<hbm>> -> memref<200x128xi32, #tpu.memory_space<hbm>>
      %dma_wait3A_68 = arith.constant 0 : i32
      %dma_wait3A_69 = tpu.memref_slice %arg2[%dma_wait3A_68, %add3A_65] : memref<200x16384xi32, #tpu.memory_space<hbm>> -> memref<200x128xi32, #tpu.memory_space<hbm>>
      tpu.wait_dma2 semaphore(%arg9 : memref<!tpu.dma_semaphore, #tpu.memory_space<semaphore_mem>>) src(%dma_wait3A_69 : memref<200x128xi32, #tpu.memory_space<hbm>>) dst(%arg5 : memref<200x128xi32, #tpu.memory_space<vmem>>)
      %gt3A_70 = arith.constant 0 : i32
      %gt3A_71 = arith.cmpi sgt, %scan3A_30, %gt3A_70 : i32
      %convert_element_type3A_72 = arith.extui %gt3A_71 : i1 to i32
      %cond3A_73 = arith.constant 0 : i32
      %cond3A_74 = arith.cmpi ne, %convert_element_type3A_72, %cond3A_73 : i32
      scf.if %cond3A_74 {
        %sub3A = arith.constant 2 : i32
        %sub3A_92 = arith.subi %add3A_62, %sub3A : i32
        %mul3A_93 = arith.constant 128 : i32
        %mul3A_94 = arith.muli %sub3A_92, %mul3A_93 : i32
        %add3A_95 = arith.addi %mul3A_2, %mul3A_94 : i32
        %dma_wait3A_96 = arith.constant 0 : i32
        %dma_wait3A_97 = tpu.memref_slice %arg3[%dma_wait3A_96, %add3A_95] : memref<200x16384xf32, #tpu.memory_space<hbm>> -> memref<200x128xf32, #tpu.memory_space<hbm>>
        %dma_wait3A_98 = arith.constant 0 : i32
        %dma_wait3A_99 = tpu.memref_slice %arg3[%dma_wait3A_98, %add3A_95] : memref<200x16384xf32, #tpu.memory_space<hbm>> -> memref<200x128xf32, #tpu.memory_space<hbm>>
        tpu.wait_dma2 semaphore(%arg11 : memref<!tpu.dma_semaphore, #tpu.memory_space<semaphore_mem>>) src(%arg7 : memref<200x128xf32, #tpu.memory_space<vmem>>) dst(%dma_wait3A_99 : memref<200x128xf32, #tpu.memory_space<hbm>>)
      } else {
      }
      %parallel_loop3A_75 = arith.constant 0 : i32
      %parallel_loop3A_76 = arith.constant 200 : i32
      %parallel_loop3A_77 = arith.constant 1 : i32
      scf.for %parallel_loop3A_92 = %parallel_loop3A_75 to %parallel_loop3A_76 step %parallel_loop3A_77  : i32 {
        %parallel_loop3A_93 = arith.index_cast %parallel_loop3A_92 : i32 to index
        %parallel_loop3A_94 = arith.constant 0 : index
        %parallel_loop3A_95 = tpu.vector_load %arg5[%parallel_loop3A_93, %parallel_loop3A_94] {strides = array<i32>} : memref<200x128xi32, #tpu.memory_space<vmem>>, vector<1x16xi32>,
        %parallel_loop3A_96 = vector.shape_cast %parallel_loop3A_95 : vector<1x16xi32> to vector<16xi32>
        %parallel_loop3A_97 = arith.constant 1 : i32
        %parallel_loop3A_98 = vector.broadcast %parallel_loop3A_97 : i32 to vector<16xi32>
        %parallel_loop3A_99 = arith.shli %parallel_loop3A_96, %parallel_loop3A_98 : vector<16xi32>
        %parallel_loop3A_100 = arith.constant 1 : i32
        %parallel_loop3A_101 = vector.broadcast %parallel_loop3A_100 : i32 to vector<16xi32>
        %parallel_loop3A_102 = arith.subi %parallel_loop3A_101, %parallel_loop3A_99 : vector<16xi32>
        %parallel_loop3A_103 = arith.sitofp %parallel_loop3A_102 : vector<16xi32> to vector<16xf32>
        %parallel_loop3A_104 = arith.index_cast %parallel_loop3A_92 : i32 to index
        %parallel_loop3A_105 = arith.constant 0 : index
        %parallel_loop3A_106 = tpu.vector_load %arg7[%parallel_loop3A_104, %parallel_loop3A_105] {strides = array<i32>} : memref<200x128xf32, #tpu.memory_space<vmem>>, vector<1x16xf32>,
        %parallel_loop3A_107 = vector.shape_cast %parallel_loop3A_106 : vector<1x16xf32> to vector<16xf32>
        %parallel_loop3A_108 = vector.shape_cast %parallel_loop3A_103 : vector<16xf32> to vector<1x16xf32>
        tpu.vector_store %arg7[%parallel_loop3A_104, %parallel_loop3A_105], %parallel_loop3A_108 {strides = array<i32>} : memref<200x128xf32, #tpu.memory_space<vmem>>, vector<1x16xf32>,
        %parallel_loop3A_109 = arith.index_cast %parallel_loop3A_92 : i32 to index
        %parallel_loop3A_110 = arith.constant 16 : index
        %parallel_loop3A_111 = tpu.vector_load %arg5[%parallel_loop3A_109, %parallel_loop3A_110] {strides = array<i32>} : memref<200x128xi32, #tpu.memory_space<vmem>>, vector<1x16xi32>,
        %parallel_loop3A_112 = vector.shape_cast %parallel_loop3A_111 : vector<1x16xi32> to vector<16xi32>
        %parallel_loop3A_113 = arith.constant 1 : i32
        %parallel_loop3A_114 = vector.broadcast %parallel_loop3A_113 : i32 to vector<16xi32>
        %parallel_loop3A_115 = arith.shli %parallel_loop3A_112, %parallel_loop3A_114 : vector<16xi32>
        %parallel_loop3A_116 = arith.constant 1 : i32
        %parallel_loop3A_117 = vector.broadcast %parallel_loop3A_116 : i32 to vector<16xi32>
        %parallel_loop3A_118 = arith.subi %parallel_loop3A_117, %parallel_loop3A_115 : vector<16xi32>
        %parallel_loop3A_119 = arith.sitofp %parallel_loop3A_118 : vector<16xi32> to vector<16xf32>
        %parallel_loop3A_120 = arith.index_cast %parallel_loop3A_92 : i32 to index
        %parallel_loop3A_121 = arith.constant 16 : index
        %parallel_loop3A_122 = tpu.vector_load %arg7[%parallel_loop3A_120, %parallel_loop3A_121] {strides = array<i32>} : memref<200x128xf32, #tpu.memory_space<vmem>>, vector<1x16xf32>,
        %parallel_loop3A_123 = vector.shape_cast %parallel_loop3A_122 : vector<1x16xf32> to vector<16xf32>
        %parallel_loop3A_124 = vector.shape_cast %parallel_loop3A_119 : vector<16xf32> to vector<1x16xf32>
        tpu.vector_store %arg7[%parallel_loop3A_120, %parallel_loop3A_121], %parallel_loop3A_124 {strides = array<i32>} : memref<200x128xf32, #tpu.memory_space<vmem>>, vector<1x16xf32>,
        %parallel_loop3A_125 = arith.index_cast %parallel_loop3A_92 : i32 to index
        %parallel_loop3A_126 = arith.constant 32 : index
        %parallel_loop3A_127 = tpu.vector_load %arg5[%parallel_loop3A_125, %parallel_loop3A_126] {strides = array<i32>} : memref<200x128xi32, #tpu.memory_space<vmem>>, vector<1x16xi32>,
        %parallel_loop3A_128 = vector.shape_cast %parallel_loop3A_127 : vector<1x16xi32> to vector<16xi32>
        %parallel_loop3A_129 = arith.constant 1 : i32
        %parallel_loop3A_130 = vector.broadcast %parallel_loop3A_129 : i32 to vector<16xi32>
        %parallel_loop3A_131 = arith.shli %parallel_loop3A_128, %parallel_loop3A_130 : vector<16xi32>
        %parallel_loop3A_132 = arith.constant 1 : i32
        %parallel_loop3A_133 = vector.broadcast %parallel_loop3A_132 : i32 to vector<16xi32>
        %parallel_loop3A_134 = arith.subi %parallel_loop3A_133, %parallel_loop3A_131 : vector<16xi32>
        %parallel_loop3A_135 = arith.sitofp %parallel_loop3A_134 : vector<16xi32> to vector<16xf32>
        %parallel_loop3A_136 = arith.index_cast %parallel_loop3A_92 : i32 to index
        %parallel_loop3A_137 = arith.constant 32 : index
        %parallel_loop3A_138 = tpu.vector_load %arg7[%parallel_loop3A_136, %parallel_loop3A_137] {strides = array<i32>} : memref<200x128xf32, #tpu.memory_space<vmem>>, vector<1x16xf32>,
        %parallel_loop3A_139 = vector.shape_cast %parallel_loop3A_138 : vector<1x16xf32> to vector<16xf32>
        %parallel_loop3A_140 = vector.shape_cast %parallel_loop3A_135 : vector<16xf32> to vector<1x16xf32>
        tpu.vector_store %arg7[%parallel_loop3A_136, %parallel_loop3A_137], %parallel_loop3A_140 {strides = array<i32>} : memref<200x128xf32, #tpu.memory_space<vmem>>, vector<1x16xf32>,
        %parallel_loop3A_141 = arith.index_cast %parallel_loop3A_92 : i32 to index
        %parallel_loop3A_142 = arith.constant 48 : index
        %parallel_loop3A_143 = tpu.vector_load %arg5[%parallel_loop3A_141, %parallel_loop3A_142] {strides = array<i32>} : memref<200x128xi32, #tpu.memory_space<vmem>>, vector<1x16xi32>,
        %parallel_loop3A_144 = vector.shape_cast %parallel_loop3A_143 : vector<1x16xi32> to vector<16xi32>
        %parallel_loop3A_145 = arith.constant 1 : i32
        %parallel_loop3A_146 = vector.broadcast %parallel_loop3A_145 : i32 to vector<16xi32>
        %parallel_loop3A_147 = arith.shli %parallel_loop3A_144, %parallel_loop3A_146 : vector<16xi32>
        %parallel_loop3A_148 = arith.constant 1 : i32
        %parallel_loop3A_149 = vector.broadcast %parallel_loop3A_148 : i32 to vector<16xi32>
        %parallel_loop3A_150 = arith.subi %parallel_loop3A_149, %parallel_loop3A_147 : vector<16xi32>
        %parallel_loop3A_151 = arith.sitofp %parallel_loop3A_150 : vector<16xi32> to vector<16xf32>
        %parallel_loop3A_152 = arith.index_cast %parallel_loop3A_92 : i32 to index
        %parallel_loop3A_153 = arith.constant 48 : index
        %parallel_loop3A_154 = tpu.vector_load %arg7[%parallel_loop3A_152, %parallel_loop3A_153] {strides = array<i32>} : memref<200x128xf32, #tpu.memory_space<vmem>>, vector<1x16xf32>,
        %parallel_loop3A_155 = vector.shape_cast %parallel_loop3A_154 : vector<1x16xf32> to vector<16xf32>
        %parallel_loop3A_156 = vector.shape_cast %parallel_loop3A_151 : vector<16xf32> to vector<1x16xf32>
        tpu.vector_store %arg7[%parallel_loop3A_152, %parallel_loop3A_153], %parallel_loop3A_156 {strides = array<i32>} : memref<200x128xf32, #tpu.memory_space<vmem>>, vector<1x16xf32>,
        %parallel_loop3A_157 = arith.index_cast %parallel_loop3A_92 : i32 to index
        %parallel_loop3A_158 = arith.constant 64 : index
        %parallel_loop3A_159 = tpu.vector_load %arg5[%parallel_loop3A_157, %parallel_loop3A_158] {strides = array<i32>} : memref<200x128xi32, #tpu.memory_space<vmem>>, vector<1x16xi32>,
        %parallel_loop3A_160 = vector.shape_cast %parallel_loop3A_159 : vector<1x16xi32> to vector<16xi32>
        %parallel_loop3A_161 = arith.constant 1 : i32
        %parallel_loop3A_162 = vector.broadcast %parallel_loop3A_161 : i32 to vector<16xi32>
        %parallel_loop3A_163 = arith.shli %parallel_loop3A_160, %parallel_loop3A_162 : vector<16xi32>
        %parallel_loop3A_164 = arith.constant 1 : i32
        %parallel_loop3A_165 = vector.broadcast %parallel_loop3A_164 : i32 to vector<16xi32>
        %parallel_loop3A_166 = arith.subi %parallel_loop3A_165, %parallel_loop3A_163 : vector<16xi32>
        %parallel_loop3A_167 = arith.sitofp %parallel_loop3A_166 : vector<16xi32> to vector<16xf32>
        %parallel_loop3A_168 = arith.index_cast %parallel_loop3A_92 : i32 to index
        %parallel_loop3A_169 = arith.constant 64 : index
        %parallel_loop3A_170 = tpu.vector_load %arg7[%parallel_loop3A_168, %parallel_loop3A_169] {strides = array<i32>} : memref<200x128xf32, #tpu.memory_space<vmem>>, vector<1x16xf32>,
        %parallel_loop3A_171 = vector.shape_cast %parallel_loop3A_170 : vector<1x16xf32> to vector<16xf32>
        %parallel_loop3A_172 = vector.shape_cast %parallel_loop3A_167 : vector<16xf32> to vector<1x16xf32>
        tpu.vector_store %arg7[%parallel_loop3A_168, %parallel_loop3A_169], %parallel_loop3A_172 {strides = array<i32>} : memref<200x128xf32, #tpu.memory_space<vmem>>, vector<1x16xf32>,
        %parallel_loop3A_173 = arith.index_cast %parallel_loop3A_92 : i32 to index
        %parallel_loop3A_174 = arith.constant 80 : index
        %parallel_loop3A_175 = tpu.vector_load %arg5[%parallel_loop3A_173, %parallel_loop3A_174] {strides = array<i32>} : memref<200x128xi32, #tpu.memory_space<vmem>>, vector<1x16xi32>,
        %parallel_loop3A_176 = vector.shape_cast %parallel_loop3A_175 : vector<1x16xi32> to vector<16xi32>
        %parallel_loop3A_177 = arith.constant 1 : i32
        %parallel_loop3A_178 = vector.broadcast %parallel_loop3A_177 : i32 to vector<16xi32>
        %parallel_loop3A_179 = arith.shli %parallel_loop3A_176, %parallel_loop3A_178 : vector<16xi32>
        %parallel_loop3A_180 = arith.constant 1 : i32
        %parallel_loop3A_181 = vector.broadcast %parallel_loop3A_180 : i32 to vector<16xi32>
        %parallel_loop3A_182 = arith.subi %parallel_loop3A_181, %parallel_loop3A_179 : vector<16xi32>
        %parallel_loop3A_183 = arith.sitofp %parallel_loop3A_182 : vector<16xi32> to vector<16xf32>
        %parallel_loop3A_184 = arith.index_cast %parallel_loop3A_92 : i32 to index
        %parallel_loop3A_185 = arith.constant 80 : index
        %parallel_loop3A_186 = tpu.vector_load %arg7[%parallel_loop3A_184, %parallel_loop3A_185] {strides = array<i32>} : memref<200x128xf32, #tpu.memory_space<vmem>>, vector<1x16xf32>,
        %parallel_loop3A_187 = vector.shape_cast %parallel_loop3A_186 : vector<1x16xf32> to vector<16xf32>
        %parallel_loop3A_188 = vector.shape_cast %parallel_loop3A_183 : vector<16xf32> to vector<1x16xf32>
        tpu.vector_store %arg7[%parallel_loop3A_184, %parallel_loop3A_185], %parallel_loop3A_188 {strides = array<i32>} : memref<200x128xf32, #tpu.memory_space<vmem>>, vector<1x16xf32>,
        %parallel_loop3A_189 = arith.index_cast %parallel_loop3A_92 : i32 to index
        %parallel_loop3A_190 = arith.constant 96 : index
        %parallel_loop3A_191 = tpu.vector_load %arg5[%parallel_loop3A_189, %parallel_loop3A_190] {strides = array<i32>} : memref<200x128xi32, #tpu.memory_space<vmem>>, vector<1x16xi32>,
        %parallel_loop3A_192 = vector.shape_cast %parallel_loop3A_191 : vector<1x16xi32> to vector<16xi32>
        %parallel_loop3A_193 = arith.constant 1 : i32
        %parallel_loop3A_194 = vector.broadcast %parallel_loop3A_193 : i32 to vector<16xi32>
        %parallel_loop3A_195 = arith.shli %parallel_loop3A_192, %parallel_loop3A_194 : vector<16xi32>
        %parallel_loop3A_196 = arith.constant 1 : i32
        %parallel_loop3A_197 = vector.broadcast %parallel_loop3A_196 : i32 to vector<16xi32>
        %parallel_loop3A_198 = arith.subi %parallel_loop3A_197, %parallel_loop3A_195 : vector<16xi32>
        %parallel_loop3A_199 = arith.sitofp %parallel_loop3A_198 : vector<16xi32> to vector<16xf32>
        %parallel_loop3A_200 = arith.index_cast %parallel_loop3A_92 : i32 to index
        %parallel_loop3A_201 = arith.constant 96 : index
        %parallel_loop3A_202 = tpu.vector_load %arg7[%parallel_loop3A_200, %parallel_loop3A_201] {strides = array<i32>} : memref<200x128xf32, #tpu.memory_space<vmem>>, vector<1x16xf32>,
        %parallel_loop3A_203 = vector.shape_cast %parallel_loop3A_202 : vector<1x16xf32> to vector<16xf32>
        %parallel_loop3A_204 = vector.shape_cast %parallel_loop3A_199 : vector<16xf32> to vector<1x16xf32>
        tpu.vector_store %arg7[%parallel_loop3A_200, %parallel_loop3A_201], %parallel_loop3A_204 {strides = array<i32>} : memref<200x128xf32, #tpu.memory_space<vmem>>, vector<1x16xf32>,
        %parallel_loop3A_205 = arith.index_cast %parallel_loop3A_92 : i32 to index
        %parallel_loop3A_206 = arith.constant 112 : index
        %parallel_loop3A_207 = tpu.vector_load %arg5[%parallel_loop3A_205, %parallel_loop3A_206] {strides = array<i32>} : memref<200x128xi32, #tpu.memory_space<vmem>>, vector<1x16xi32>,
        %parallel_loop3A_208 = vector.shape_cast %parallel_loop3A_207 : vector<1x16xi32> to vector<16xi32>
        %parallel_loop3A_209 = arith.constant 1 : i32
        %parallel_loop3A_210 = vector.broadcast %parallel_loop3A_209 : i32 to vector<16xi32>
        %parallel_loop3A_211 = arith.shli %parallel_loop3A_208, %parallel_loop3A_210 : vector<16xi32>
        %parallel_loop3A_212 = arith.constant 1 : i32
        %parallel_loop3A_213 = vector.broadcast %parallel_loop3A_212 : i32 to vector<16xi32>
        %parallel_loop3A_214 = arith.subi %parallel_loop3A_213, %parallel_loop3A_211 : vector<16xi32>
        %parallel_loop3A_215 = arith.sitofp %parallel_loop3A_214 : vector<16xi32> to vector<16xf32>
        %parallel_loop3A_216 = arith.index_cast %parallel_loop3A_92 : i32 to index
        %parallel_loop3A_217 = arith.constant 112 : index
        %parallel_loop3A_218 = tpu.vector_load %arg7[%parallel_loop3A_216, %parallel_loop3A_217] {strides = array<i32>} : memref<200x128xf32, #tpu.memory_space<vmem>>, vector<1x16xf32>,
        %parallel_loop3A_219 = vector.shape_cast %parallel_loop3A_218 : vector<1x16xf32> to vector<16xf32>
        %parallel_loop3A_220 = vector.shape_cast %parallel_loop3A_215 : vector<16xf32> to vector<1x16xf32>
        tpu.vector_store %arg7[%parallel_loop3A_216, %parallel_loop3A_217], %parallel_loop3A_220 {strides = array<i32>} : memref<200x128xf32, #tpu.memory_space<vmem>>, vector<1x16xf32>,
      } {sc.loop_unroll_factor = 4 : i64, sc.parallel_access}
      %mul3A_78 = arith.constant 128 : i32
      %mul3A_79 = arith.muli %add3A_62, %mul3A_78 : i32
      %add3A_80 = arith.addi %mul3A_2, %mul3A_79 : i32
      %dma_start3A_81 = arith.constant 0 : i32
      %dma_start3A_82 = tpu.memref_slice %arg3[%dma_start3A_81, %add3A_80] : memref<200x16384xf32, #tpu.memory_space<hbm>> -> memref<200x128xf32, #tpu.memory_space<hbm>>
      %dma_start3A_83 = arith.constant 0 : i32
      %dma_start3A_84 = tpu.memref_slice %arg3[%dma_start3A_83, %add3A_80] : memref<200x16384xf32, #tpu.memory_space<hbm>> -> memref<200x128xf32, #tpu.memory_space<hbm>>
      tpu.enqueue_dma source(%arg7 : memref<200x128xf32, #tpu.memory_space<vmem>>) target(%dma_start3A_84 : memref<200x128xf32, #tpu.memory_space<hbm>>) target_semaphore(%arg11 : memref<!tpu.dma_semaphore, #tpu.memory_space<semaphore_mem>>)
      %add3A_85 = arith.constant 2 : i32
      %add3A_86 = arith.addi %add3A_62, %add3A_85 : i32
      %lt3A_87 = arith.constant 4 : i32
      %lt3A_88 = arith.cmpi slt, %add3A_86, %lt3A_87 : i32
      %convert_element_type3A_89 = arith.extui %lt3A_88 : i1 to i32
      %cond3A_90 = arith.constant 0 : i32
      %cond3A_91 = arith.cmpi ne, %convert_element_type3A_89, %cond3A_90 : i32
      scf.if %cond3A_91 {
        %add3A_92 = arith.constant 2 : i32
        %add3A_93 = arith.addi %add3A_62, %add3A_92 : i32
        %mul3A_94 = arith.constant 128 : i32
        %mul3A_95 = arith.muli %add3A_93, %mul3A_94 : i32
        %add3A_96 = arith.addi %mul3A_2, %mul3A_95 : i32
        %dma_start3A_97 = arith.constant 0 : i32
        %dma_start3A_98 = tpu.memref_slice %arg2[%dma_start3A_97, %add3A_96] : memref<200x16384xi32, #tpu.memory_space<hbm>> -> memref<200x128xi32, #tpu.memory_space<hbm>>
        %dma_start3A_99 = arith.constant 0 : i32
        %dma_start3A_100 = tpu.memref_slice %arg2[%dma_start3A_99, %add3A_96] : memref<200x16384xi32, #tpu.memory_space<hbm>> -> memref<200x128xi32, #tpu.memory_space<hbm>>
        tpu.enqueue_dma source(%dma_start3A_100 : memref<200x128xi32, #tpu.memory_space<hbm>>) target(%arg5 : memref<200x128xi32, #tpu.memory_space<vmem>>) target_semaphore(%arg9 : memref<!tpu.dma_semaphore, #tpu.memory_space<semaphore_mem>>)
      } else {
      }
    }
    %scan3A_18 = arith.constant 2 : i32
    %add3A_19 = arith.constant 256 : i32
    %add3A_20 = arith.addi %mul3A_2, %add3A_19 : i32
    %dma_wait3A = arith.constant 0 : i32
    %dma_wait3A_21 = tpu.memref_slice %arg3[%dma_wait3A, %add3A_20] : memref<200x16384xf32, #tpu.memory_space<hbm>> -> memref<200x128xf32, #tpu.memory_space<hbm>>
    %dma_wait3A_22 = arith.constant 0 : i32
    %dma_wait3A_23 = tpu.memref_slice %arg3[%dma_wait3A_22, %add3A_20] : memref<200x16384xf32, #tpu.memory_space<hbm>> -> memref<200x128xf32, #tpu.memory_space<hbm>>
    tpu.wait_dma2 semaphore(%arg10 : memref<!tpu.dma_semaphore, #tpu.memory_space<semaphore_mem>>) src(%arg6 : memref<200x128xf32, #tpu.memory_space<vmem>>) dst(%dma_wait3A_23 : memref<200x128xf32, #tpu.memory_space<hbm>>)
    %add3A_24 = arith.constant 384 : i32
    %add3A_25 = arith.addi %mul3A_2, %add3A_24 : i32
    %dma_wait3A_26 = arith.constant 0 : i32
    %dma_wait3A_27 = tpu.memref_slice %arg3[%dma_wait3A_26, %add3A_25] : memref<200x16384xf32, #tpu.memory_space<hbm>> -> memref<200x128xf32, #tpu.memory_space<hbm>>
    %dma_wait3A_28 = arith.constant 0 : i32
    %dma_wait3A_29 = tpu.memref_slice %arg3[%dma_wait3A_28, %add3A_25] : memref<200x16384xf32, #tpu.memory_space<hbm>> -> memref<200x128xf32, #tpu.memory_space<hbm>>
    tpu.wait_dma2 semaphore(%arg11 : memref<!tpu.dma_semaphore, #tpu.memory_space<semaphore_mem>>) src(%arg7 : memref<200x128xf32, #tpu.memory_space<vmem>>) dst(%dma_wait3A_29 : memref<200x128xf32, #tpu.memory_space<hbm>>)
    return
  }
}

</mosaic_0001>

<sc_bundles>
// kernel: kernel.3.cloned.1.call-start
scs
__scs_entry_jumppad:
0x0: {  	(pc) =	sbr.rel $0x88, $3  }
0x1: {  	(tag) =	ssettag $0x0;
	lr =	simm.s32 $0x1  }
0x2: {  	[smem:$0x3FA0] =	sst lr;
	_ =	strace $0xD0000000  }
0x3: {  	_ = 	snop  }
0x4: {  	_ = 	snop  }
0x5: {  	_ = 	snop  }
0x6: {  	_ = 	snop  }
0x7: {  	_ = 	snop  }
__scs_overlays_trampoline_lowered:
0x8: {  	[smem:$0x3FAF] =	sst s0  }
0x9: {  	[smem:$0x3FB0] =	sst s1  }
0xa: {  	[smem:$0x3FB1] =	sst s2  }
0xb: {  	[smem:$0x3FB2] =	sst s3  }
0xc: {  	[smem:$0x3FB3] =	sst s4  }
0xd: {  	[smem:$0x3FB4] =	sst s5  }
0xe: {  	[smem:$0x3FB5] =	sst s6  }
0xf: {  	[smem:$0x3FB6] =	sst s7  }
0x10: {  	[smem:$0x3FB7] =	sst s8  }
0x11: {  	[smem:$0x3FB8] =	sst s9;
	s0 =	simm.s32 @!p0 $0x0  }
0x12: {  	s1 =	sld [smem:$0x3F9E];
	s0 =	simm.s32 @p0 $0x1  }
0x13: {  	[smem:$0x3FB9] =	sst s0;
	s0 =	simm.s32 @!p1 $0x0  }
0x14: {  	s2 =	sld [smem:$0x3F9D];
	s0 =	simm.s32 @p1 $0x1  }
0x15: {  	[smem:$0x3FBA] =	sst s0;
	s0 =	simm.s32 @!p2 $0x0  }
0x16: {  	s3 =	sld [smem:$0x3FDB];
	s0 =	simm.s32 @p2 $0x1  }
0x17: {  	s4 =	simm.s32 $0x1BF5;
	[smem:$0x3FBC] =	sst s0  }
0x18: {  	s0 =	sld [smem:$0x3F9F];
	_ =	swait.ge [sflag:s4], $0x0  }
0x19: {  	s7 =	sld [smem:$0x3FA0]  }
0x1a: {  	s8 =	sadd.s32 $0xFFFFE003, lr  }
0x1b: {  	s9 =	sadd.s32 $0xFFFFFEF7, lr;
	s5 =	simm.s32 $0xFFFFFFFF;
	p2 =	slt.u32 s8, $0xFFFFF086  }
0x1c: {  	p1 =	slt.u32 s9, $0xF7A;
	s5 =	simm.s32 @!p2 $0x0  }
0x1d: {  	s5 =	simm.s32 @p1 $0x1;
	p0 =	seq.s32 s7, s2  }
0x1e: {  	s7 =	smul.u32 @!p0 $0xF7A, s2;
	p2 =	seq.s32 @!p0 s5, $0x0  }
0x1f: {  	s9 =	smul.u32 $0xF7A, s1;
	s8 =	simm.s32 @!p0 $0x1BF5;
	p2 =	por !p2, p0  }
0x20: {  	[sflag:s8] =	ssyncset.s32 @!p0 $0xFFFFF086;
	s6 =	sadd.s32 @!p0 s3, s7;
	s7 =	simm.s32 @!p0 $0x108  }
0x21: {  	s3 =	sadd.s32 s3, s9;
	s6 =	sadd.s32 @!p0 $0x88, s6;
	s7 =	simm.s32 @p2 $0x1082  }
0x22: {  	[simem:s7], [sflag:s8] =	dma.local @!p0 [hbm:s6], $0xF7A  }
0x23: {  	s9 =	sor.u32 $0xD0000000, s2;
	s6 =	simm.s32 $0x108;
	_ =	swait.ge @!p0 [sflag:s8], $0x0  }
0x24: {  	s3 =	sadd.s32 $0x88, s3;
	s6 =	simm.s32 @!p1 $0x1082;
	[sflag:s4] =	ssyncset.s32 $0xFFFFF086  }
0x25: {  	[simem:s6], [sflag:s4] =	dma.local [hbm:s3], $0xF7A  }
0x26: {  	[smem:$0x3FA0] =	sst s1;
	(tag) =	ssettag s2;
	_ =	strace s9  }
0x27: {  	s1 =	sld [smem:$0x3FB0]  }
0x28: {  	s2 =	sld [smem:$0x3FB1]  }
0x29: {  	s4 =	sld [smem:$0x3FB3]  }
0x2a: {  	p0 =	seq.s32 s5, $0x0;
	s5 =	sld [smem:$0x3FB4]  }
0x2b: {  	s6 =	sld [smem:$0x3FB5]  }
0x2c: {  	s7 =	sld [smem:$0x3FB6]  }
0x2d: {  	s3 =	simm.s32 $0x108;
	s8 =	sld [smem:$0x3FB7]  }
0x2e: {  	s3 =	simm.s32 @!p0 $0x1082;
	s9 =	sld [smem:$0x3FB8]  }
0x2f: {  	lr =	sadd.s32 s0, s3;
	s0 =	sld [smem:$0x3FAF]  }
0x30: {  	s3 =	sld [smem:$0x3FB2]  }
0x31: {  	[smem:$0x3FBB] =	sst s10  }
0x32: {  	s10 =	sld [smem:$0x3FB9];
	_ =	sdelay $0x3  }
0x33: {  	p0 =	seq.s32 s10, $0x1;
	s10 =	sld [smem:$0x3FBB];
	_ =	sdelay $0x3  }
0x34: {  	[smem:$0x3FBB] =	sst s10  }
0x35: {  	s10 =	sld [smem:$0x3FBA];
	_ =	sdelay $0x3  }
0x36: {  	p1 =	seq.s32 s10, $0x1;
	s10 =	sld [smem:$0x3FBB];
	_ =	sdelay $0x3  }
0x37: {  	[smem:$0x3FBB] =	sst s10  }
0x38: {  	s10 =	sld [smem:$0x3FBC]  }
0x39: {  	_ = 	snop;
	(pc) =	sbr.ind lr, $3  }
0x3a: {  	_ = 	snop  }
0x3b: {  	_ = 	snop  }
0x3c: {  	p2 =	seq.s32 s10, $0x1;
	s10 =	sld [smem:$0x3FBB]  }
0x3d: {  	_ =	shalt  }
0x3e: {  	_ =	shalt  }
0x3f: {  	_ =	shalt  }
0x40: {  	_ =	shalt  }
0x41: {  	_ =	shalt  }
0x42: {  	_ =	shalt  }
0x43: {  	_ =	shalt  }
0x44: {  	_ =	shalt  }
0x45: {  	_ =	shalt  }
0x46: {  	_ =	shalt  }
0x47: {  	_ =	shalt  }
0x48: {  	_ =	shalt  }
0x49: {  	_ =	shalt  }
0x4a: {  	_ =	shalt  }
0x4b: {  	_ =	shalt  }
0x4c: {  	_ =	shalt  }
0x4d: {  	_ =	shalt  }
0x4e: {  	_ =	shalt  }
0x4f: {  	_ =	shalt  }
0x50: {  	_ =	shalt  }
0x51: {  	_ =	shalt  }
0x52: {  	_ =	shalt  }
0x53: {  	_ =	shalt  }
0x54: {  	_ =	shalt  }
0x55: {  	_ =	shalt  }
0x56: {  	_ =	shalt  }
0x57: {  	_ =	shalt  }
0x58: {  	_ =	shalt  }
0x59: {  	_ =	shalt  }
0x5a: {  	_ =	shalt  }
0x5b: {  	_ =	shalt  }
0x5c: {  	_ =	shalt  }
0x5d: {  	_ =	shalt  }
0x5e: {  	_ =	shalt  }
0x5f: {  	_ =	shalt  }
0x60: {  	_ =	shalt  }
0x61: {  	_ =	shalt  }
0x62: {  	_ =	shalt  }
0x63: {  	_ =	shalt  }
0x64: {  	_ =	shalt  }
0x65: {  	_ =	shalt  }
0x66: {  	_ =	shalt  }
0x67: {  	_ =	shalt  }
0x68: {  	_ =	shalt  }
0x69: {  	_ =	shalt  }
0x6a: {  	_ =	shalt  }
0x6b: {  	_ =	shalt  }
0x6c: {  	_ =	shalt  }
0x6d: {  	_ =	shalt  }
0x6e: {  	_ =	shalt  }
0x6f: {  	_ =	shalt  }
0x70: {  	_ =	shalt  }
0x71: {  	_ =	shalt  }
0x72: {  	_ =	shalt  }
0x73: {  	_ =	shalt  }
0x74: {  	_ =	shalt  }
0x75: {  	_ =	shalt  }
0x76: {  	_ =	shalt  }
0x77: {  	_ =	shalt  }
0x78: {  	_ =	shalt  }
0x79: {  	_ =	shalt  }
0x7a: {  	_ =	shalt  }
0x7b: {  	_ =	shalt  }
0x7c: {  	_ =	shalt  }
0x7d: {  	_ =	shalt  }
0x7e: {  	_ =	shalt  }
0x7f: {  	_ =	shalt  }
0x80: {  	_ =	shalt  }
0x81: {  	_ =	shalt  }
0x82: {  	_ =	shalt  }
0x83: {  	_ =	shalt  }
0x84: {  	_ =	shalt  }
0x85: {  	_ =	shalt  }
0x86: {  	_ =	shalt  }
0x87: {  	_ =	shalt  }
.Lfunc_end0:
.L_simem_size_0:
called_computation_lowered:
.L_overlay_start_0:
0x88: {  	s2 =	sld [smem:$0x3FD9]  }
0x89: {  	s3 =	sld [smem:$0x3FFE];
	_ =	sdelay $0x1  }
0x8a: {  	s1 =	srdreg.scid  }
0x8b: {  	s0 =	sand.u32 $0x1, s1  }
0x8c: {  	s18 =	sshll.u32 s0, $0xA;
	s2 =	sadd.s32 s3, s2  }
0x8d: {  	s2 =	sadd.s32 s2, s18  }
0x8e: {  	[smem:$0x3FC7] =	sst s2  }
0x8f: {  	_ = 	snop  }
0x90: {  	s2 =	sld [smem:$0x3FC9]  }
0x91: {  	s19 =	sld [smem:$0x3FD0];
	(tm) =	ssettm $0x1  }
0x92: {  	s4 =	sld [smem:$0x3FFB];
	_ =	sdelay $0x3  }
0x93: {  	_ =	strace s4  }
0x94: {  	s4 =	sld [smem:$0x3FFC];
	_ =	sdelay $0x3  }
0x95: {  	_ =	strace s4  }
0x96: {  	s4 =	sld [smem:$0x3FFD];
	_ =	sdelay $0x3  }
0x97: {  	_ =	strace s4  }
0x98: {  	_ =	strace $0x8FFFFFFF  }
0x99: {  	s20 =	sld [smem:$0x3FDB];
	_ =	sdelay $0x1  }
0x9a: {  	s5 =	simm.s32 $_scs_section_size  }
0x9b: {  	s6 =	simm.s32 $_size__tile_overlayer_lowered;
	s7 =	simm.s32 $_tile_overlayer_lowered  }
0x9c: {  	s23 =	simm.s32 $0x1BFF;
	s22 =	sshll.u32 s7, $0x1;
	s4 =	sadd.s32 s5, s20  }
0x9d: {  	s8 =	simm.s32 $0x0;
	s21 =	sshll.u32 s6, $0x1;
	s6 =	sadd.s32 s22, s4  }
0x9e: {  	[timem:s8], [sflag:s23] =	dma.local [hbm:s6], s21  }
0x9f: {  	_ =	swait.ge [sflag:s23], s21  }
0xa0: {  	s5 =	ssub.s32 $0x0, s21;
	[sflag:s23] =	ssyncset.done $0x0  }
0xa1: {  	[sflag:s23] =	ssyncadd.s32 s5;
	_ =	sdelay $0x1  }
0xa2: {  	s24 =	simm.s32 $0x1B8B  }
0xa3: {  	_ =	swait.ge [sflag:s24], $0x1  }
0xa4: {  	[sflag:s24] =	ssyncset.done $0x0  }
0xa5: {  	s25 =	simm.s32 $0x1B8E;
	[sflag:s24] =	ssyncadd.s32 $0xFFFFFFFF  }
0xa6: {  	s26 =	simm.s32 $execute0_lowered;
	[smem:$0x3FD2] =	sst s25  }
0xa7: {  	s5 =	sshll.u32 s26, $0x1;
	_ =	strace $0x80000046;
	[dreg:$0x1] =	wrdreg $0xFFFFFFFF  }
0xa8: {  	s28 =	simm.s32 $_size_execute0_lowered;
	s4 =	sadd.s32 s4, s5;
	[dreg:$0x0] =	wrdreg $0x0  }
0xa9: {  	s5 =	sshll.u32 s28, $0x1;
	[dreg:$0x2] =	wrdreg s4  }
0xaa: {  	[dreg:$0x3] =	wrdreg s5  }
0xab: {  	[dreg:$0x4] =	wrdreg $0xC0  }
0xac: {  	_ =	task [dreg:s8], $0x5FFFF  }
0xad: {  	[dreg:$0x1] =	wrdreg $0xFFFFFFFF  }
0xae: {  	[dreg:$0x0] =	wrdreg $0x60  }
0xaf: {  	[dreg:$0x2] =	wrdreg s2  }
0xb0: {  	[dreg:$0x3] =	wrdreg s19  }
0xb1: {  	[dreg:$0x4] =	wrdreg $0x9  }
0xb2: {  	_ =	task.clear_ibuf [dreg:s8], $0x5FFFF;
	_ =	strace $0x90000046  }
0xb3: {  	s29 =	simm.s32 $0x9;
	_ =	strace $0x80000048  }
0xb4: {  	_ =	swait.ge [sflag:s29], $0x1  }
0xb5: {  	[sflag:s29] =	ssyncadd.s32 $0xFFFFFFFF  }
0xb6: {  	_ =	strace $0x90000048  }
0xb7: {  	_ =	sfence  }
0xb8: {  	s30 =	sld [smem:$0x0];
	_ =	sdelay $0x2  }
0xb9: {  	s31 =	sshll.u32 s1, $0xD;
	s1 =	sshrl.u32 s1, $0x2  }
0xba: {  	s3 =	sand.u32 $0x4000, s31;
	s1 =	sadd.s32 s1, s30  }
0xbb: {  	s0 =	sor.u32 s3, s0;
	s1 =	sshll.u32 s1, $0x11  }
0xbc: {  	s0 =	sor.u32 s1, s0  }
0xbd: {  	s0 =	sadd.s32 $0x8F2B, s0  }
0xbe: {  	[sflag:s0] =	ssyncadd.remote.s32 $0x1  }
0xbf: {  	_ =	sfence.sel $0xFFFF  }
0xc0: {  	[dreg:$0x0] =	wrdreg $0xFFFFFFFF;
	(pc) =	sbr.abs _section_cstart, $3  }
0xc1: {  	[dreg:$0x1] =	wrdreg $0xFFFFFFFF  }
0xc2: {  	_ =	task.clear_ibuf [dreg:s8], $0x2FFFF;
	_ =	strace $0x9FFFFFFF  }
0xc3: {  	(tm) =	ssettm $0x7FFFFFFF  }
tec
execute0_lowered:
.L_overlay_start_1:
0x0: {  	(tag) =	ssettag $0x1  }
0x1: {  	s3 =	rddreg [dreg:$0x0]  }
0x2: {  	s5 =	rddreg [dreg:$0x1]  }
0x3: {  	s0 =	rddreg [dreg:$0x2];
	s4 =	srdreg.scid;
	s2 =	simm.s32 $0x0  }
0x4: {  	s1 =	stileid.u32;
	s9 =	simm.s32 $0x400;
	s10 =	simm.s32 $0x20000  }
0x5: {  	s11 =	simm.s32 $0x6400;
	s12 =	simm.s32 $0x1;
	s13 =	simm.s32 $0xC800  }
0x6: {  	s14 =	simm.s32 $0x2;
	s15 =	simm.s32 $0x12C00;
	s16 =	simm.s32 $0x3  }
0x7: {  	s17 =	simm.s32 $0x4;
	s4 =	sand.u32 $0x1, s4;
	s7 =	sshll.u32 s1, $0xA  }
.Ltmp0:
0x8: {  	s6 =	ssub.s32 $0x2, s4;
	s4 =	sshll.u32 s4, $0x9;
	(pc) =	sbr.rel .LBB2_1-.Ltmp0, $4  }
0x9: {  	s18 =	simm.s32 $0x0;
	[smem:$0x7FF] =	sst s2;
	s7 =	sor.u32 s4, s7  }
0xa: {  	_ =	strace $0x80000047;
	s8 =	sshrl.u32 s6, $0x1;
	s3 =	sadd.s32 s3, s7  }
0xb: {  	s8 =	ssub.s32 s6, s8;
	s5 =	sadd.s32 s5, s7;
	s4 =	sadd.s32 $0x80, s3  }
0xc: {  	s6 =	sadd.s32 $0x100, s3;
	s7 =	sadd.s32 $0x180, s3;
	s8 =	smax.u32 s8, $0x1  }
.LBB2_8:
0xd: {  	s18 =	sadd.s32 $0x1, s18  }
0xe: {  	_ =	swait.ge [sflag:s16], $0x6400;
	p0 =	sne.s32 s18, s8  }
.Ltmp1:
0xf: {  	[sflag:s16] =	ssyncset.done $0x0;
	(pc) =	sbr.rel @!p0 .LBB2_9-.Ltmp1, $4  }
0x10: {  	[sflag:s16] =	ssyncadd.s32 $0xFFFF9C00  }
0x11: {  	_ =	swait.ge [sflag:s17], $0x6400  }
0x12: {  	[sflag:s17] =	ssyncset.done $0x0  }
0x13: {  	[sflag:s17] =	ssyncadd.s32 $0xFFFF9C00  }
.LBB2_1:
0x14: {  	[tilespmem:s2], [sflag:$0x1] =	stream.strided.gather [hbm4b:s3+s9], $0x6400, s10, s9, $0x38;
	[tilespmem:$0x19000] =	vst v63  }
0x15: {  	p0 =	por $0x1, $0x1  }
0x16: {  	p1 =	por $0x0, $0x0;
	s20 =	smov.u32 s4;
	s19 =	simm.s32 $0x0  }
.LBB2_2:
0x17: {  	[tilespmem:s11], [sflag:$0x2] =	stream.strided.gather [hbm4b:s20+s9], $0x6400, s10, s9, $0x38;
	[tilespmem:$0x19000] =	vst v63  }
0x18: {  	_ =	swait.ge [sflag:s12], $0x6400  }
0x19: {  	[sflag:s12] =	ssyncset.done $0x0  }
0x1a: {  	s20 =	simm.s32 @p1 $0x3;
	[sflag:s12] =	ssyncadd.s32 $0xFFFF9C00  }
0x1b: {  	_ =	swait.ge @p1 [sflag:s20], $0x6400  }
0x1c: {  	[sflag:s20] =	ssyncset.done @p1 $0x0  }
0x1d: {  	s25 =	simm.s32 $0x100;
	[sflag:s20] =	ssyncadd.s32 @p1 $0xFFFF9C00  }
0x1e: {  	v0 =	vld [tilespmem:s25+$0x80]  }
0x1f: {  	v1 =	vld [tilespmem:s25+$0xFFFFFF80];
	_ =	sdelay $0x3  }
0x20: {  	v0 =	vshll.u32 v0, $0x1  }
0x21: {  	v1 =	vshll.u32 v1, $0x1;
	v0 =	vsub.s32 $0x1, v0  }
0x22: {  	v1 =	vsub.s32 $0x1, v1;
	v0 =	vcvt.s32.f32 v0  }
0x23: {  	s20 =	simm.s32 $0xC900;
	v2 =	vld [tilespmem:s25+$0xFFFFFF00];
	v1 =	vcvt.s32.f32 v1  }
0x24: {  	v3 =	vld [tilespmem:s25+$0x0];
	[tilespmem:s20+$0x80] =	vst v0  }
0x25: {  	[tilespmem:s20+$0xFFFFFF80] =	vst v1;
	v0 =	vld [tilespmem:s25+$0x90]  }
0x26: {  	v1 =	vld [tilespmem:s25+$0xFFFFFF90];
	_ =	sdelay $0x1  }
0x27: {  	v2 =	vshll.u32 v2, $0x1  }
0x28: {  	v3 =	vshll.u32 v3, $0x1;
	v2 =	vsub.s32 $0x1, v2  }
0x29: {  	v3 =	vsub.s32 $0x1, v3;
	v2 =	vcvt.s32.f32 v2;
	v0 =	vshll.u32 v0, $0x1  }
0x2a: {  	v3 =	vcvt.s32.f32 v3;
	v1 =	vshll.u32 v1, $0x1;
	v0 =	vsub.s32 $0x1, v0  }
0x2b: {  	[tilespmem:s20+$0xFFFFFF00] =	vst v2;
	v1 =	vsub.s32 $0x1, v1;
	v0 =	vcvt.s32.f32 v0  }
0x2c: {  	[tilespmem:s20+$0x0] =	vst v3;
	v2 =	vld [tilespmem:s25+$0xFFFFFF10];
	v1 =	vcvt.s32.f32 v1  }
0x2d: {  	v3 =	vld [tilespmem:s25+$0x10];
	[tilespmem:s20+$0x90] =	vst v0  }
0x2e: {  	[tilespmem:s20+$0xFFFFFF90] =	vst v1;
	v0 =	vld [tilespmem:s25+$0xA0]  }
0x2f: {  	v1 =	vld [tilespmem:s25+$0xFFFFFFA0];
	_ =	sdelay $0x1  }
0x30: {  	v2 =	vshll.u32 v2, $0x1  }
0x31: {  	v3 =	vshll.u32 v3, $0x1;
	v2 =	vsub.s32 $0x1, v2  }
0x32: {  	v3 =	vsub.s32 $0x1, v3;
	v2 =	vcvt.s32.f32 v2;
	v0 =	vshll.u32 v0, $0x1  }
0x33: {  	v3 =	vcvt.s32.f32 v3;
	v1 =	vshll.u32 v1, $0x1;
	v0 =	vsub.s32 $0x1, v0  }
0x34: {  	[tilespmem:s20+$0xFFFFFF10] =	vst v2;
	v1 =	vsub.s32 $0x1, v1;
	v0 =	vcvt.s32.f32 v0  }
0x35: {  	[tilespmem:s20+$0x10] =	vst v3;
	v2 =	vld [tilespmem:s25+$0xFFFFFF20];
	v1 =	vcvt.s32.f32 v1  }
0x36: {  	v3 =	vld [tilespmem:s25+$0x20];
	[tilespmem:s20+$0xA0] =	vst v0  }
0x37: {  	[tilespmem:s20+$0xFFFFFFA0] =	vst v1;
	v0 =	vld [tilespmem:s25+$0xB0]  }
0x38: {  	s22 =	simm.s32 $0x300;
	v1 =	vld [tilespmem:s25+$0xFFFFFFB0]  }
0x39: {  	v4 =	vld [tilespmem:s22+$0x80]  }
0x3a: {  	v5 =	vld [tilespmem:s22+$0xFFFFFF80];
	v2 =	vshll.u32 v2, $0x1  }
0x3b: {  	v3 =	vshll.u32 v3, $0x1;
	v2 =	vsub.s32 $0x1, v2  }
0x3c: {  	v3 =	vsub.s32 $0x1, v3;
	v2 =	vcvt.s32.f32 v2;
	v0 =	vshll.u32 v0, $0x1  }
0x3d: {  	v6 =	vld [tilespmem:s22+$0x0];
	v3 =	vcvt.s32.f32 v3;
	v1 =	vshll.u32 v1, $0x1;
	v0 =	vsub.s32 $0x1, v0  }
0x3e: {  	v4 =	vshll.u32 v4, $0x1;
	[tilespmem:s20+$0xFFFFFF20] =	vst v2;
	v2 =	vld [tilespmem:s22+$0xFFFFFF00];
	v1 =	vsub.s32 $0x1, v1;
	v0 =	vcvt.s32.f32 v0  }
0x3f: {  	v5 =	vshll.u32 v5, $0x1;
	v4 =	vsub.s32 $0x1, v4;
	[tilespmem:s20+$0x20] =	vst v3;
	v3 =	vld [tilespmem:s25+$0xFFFFFF30];
	v1 =	vcvt.s32.f32 v1  }
0x40: {  	v5 =	vsub.s32 $0x1, v5;
	v4 =	vcvt.s32.f32 v4;
	v7 =	vld [tilespmem:s25+$0x30];
	[tilespmem:s20+$0xB0] =	vst v0  }
0x41: {  	s21 =	simm.s32 $0xCB00;
	v0 =	vcvt.s32.f32 v5;
	[tilespmem:s20+$0xFFFFFFB0] =	vst v1;
	v1 =	vld [tilespmem:s25+$0xC0]  }
0x42: {  	[tilespmem:s21+$0x80] =	vst v4;
	v5 =	vshll.u32 v6, $0x1;
	v4 =	vld [tilespmem:s25+$0xFFFFFFC0]  }
0x43: {  	v2 =	vshll.u32 v2, $0x1;
	v5 =	vsub.s32 $0x1, v5;
	[tilespmem:s21+$0xFFFFFF80] =	vst v0;
	v0 =	vld [tilespmem:s22+$0x90]  }
0x44: {  	v2 =	vsub.s32 $0x1, v2;
	v3 =	vshll.u32 v3, $0x1;
	v5 =	vcvt.s32.f32 v5;
	v6 =	vld [tilespmem:s22+$0xFFFFFF90]  }
0x45: {  	v7 =	vshll.u32 v7, $0x1;
	v2 =	vcvt.s32.f32 v2;
	v3 =	vsub.s32 $0x1, v3  }
0x46: {  	v3 =	vcvt.s32.f32 v3;
	[tilespmem:s21+$0x0] =	vst v5;
	v5 =	vsub.s32 $0x1, v7;
	v1 =	vshll.u32 v1, $0x1  }
0x47: {  	[tilespmem:s21+$0xFFFFFF00] =	vst v2;
	v2 =	vld [tilespmem:s22+$0x10];
	v5 =	vcvt.s32.f32 v5;
	v4 =	vshll.u32 v4, $0x1;
	v1 =	vsub.s32 $0x1, v1  }
0x48: {  	[tilespmem:s20+$0xFFFFFF30] =	vst v3;
	v7 =	vld [tilespmem:s22+$0xFFFFFF10];
	v0 =	vshll.u32 v0, $0x1;
	v3 =	vsub.s32 $0x1, v4;
	v1 =	vcvt.s32.f32 v1  }
0x49: {  	v4 =	vld [tilespmem:s25+$0xFFFFFF40];
	[tilespmem:s20+$0x30] =	vst v5;
	v5 =	vshll.u32 v6, $0x1;
	v0 =	vsub.s32 $0x1, v0;
	v3 =	vcvt.s32.f32 v3  }
0x4a: {  	v6 =	vld [tilespmem:s25+$0x40];
	v5 =	vsub.s32 $0x1, v5;
	v0 =	vcvt.s32.f32 v0;
	[tilespmem:s20+$0xC0] =	vst v1  }
0x4b: {  	v1 =	vcvt.s32.f32 v5;
	[tilespmem:s20+$0xFFFFFFC0] =	vst v3;
	v3 =	vld [tilespmem:s25+$0xD0]  }
0x4c: {  	v2 =	vshll.u32 v2, $0x1;
	[tilespmem:s21+$0x90] =	vst v0;
	v0 =	vld [tilespmem:s25+$0xFFFFFFD0]  }
0x4d: {  	v5 =	vshll.u32 v7, $0x1;
	v2 =	vsub.s32 $0x1, v2;
	[tilespmem:s21+$0xFFFFFF90] =	vst v1;
	v1 =	vld [tilespmem:s22+$0xA0]  }
0x4e: {  	v5 =	vsub.s32 $0x1, v5;
	v2 =	vcvt.s32.f32 v2;
	v4 =	vshll.u32 v4, $0x1;
	v7 =	vld [tilespmem:s22+$0xFFFFFFA0]  }
0x4f: {  	v5 =	vcvt.s32.f32 v5;
	v4 =	vsub.s32 $0x1, v4;
	v6 =	vshll.u32 v6, $0x1  }
0x50: {  	[tilespmem:s21+$0x10] =	vst v2;
	v2 =	vcvt.s32.f32 v4;
	v4 =	vsub.s32 $0x1, v6;
	v3 =	vshll.u32 v3, $0x1  }
0x51: {  	[tilespmem:s21+$0xFFFFFF10] =	vst v5;
	v5 =	vld [tilespmem:s22+$0x20];
	v4 =	vcvt.s32.f32 v4;
	v0 =	vshll.u32 v0, $0x1;
	v3 =	vsub.s32 $0x1, v3  }
0x52: {  	v6 =	vld [tilespmem:s22+$0xFFFFFF20];
	[tilespmem:s20+$0xFFFFFF40] =	vst v2;
	v1 =	vshll.u32 v1, $0x1;
	v0 =	vsub.s32 $0x1, v0;
	v2 =	vcvt.s32.f32 v3  }
0x53: {  	[tilespmem:s20+$0x40] =	vst v4;
	v3 =	vld [tilespmem:s25+$0xFFFFFF50];
	v4 =	vshll.u32 v7, $0x1;
	v1 =	vsub.s32 $0x1, v1;
	v0 =	vcvt.s32.f32 v0  }
0x54: {  	v7 =	vld [tilespmem:s25+$0x50];
	v4 =	vsub.s32 $0x1, v4;
	v1 =	vcvt.s32.f32 v1;
	[tilespmem:s20+$0xD0] =	vst v2  }
0x55: {  	v2 =	vcvt.s32.f32 v4;
	[tilespmem:s20+$0xFFFFFFD0] =	vst v0;
	v0 =	vld [tilespmem:s25+$0xE0]  }
0x56: {  	v4 =	vshll.u32 v5, $0x1;
	[tilespmem:s21+$0xA0] =	vst v1;
	v1 =	vld [tilespmem:s25+$0xFFFFFFE0]  }
0x57: {  	v5 =	vshll.u32 v6, $0x1;
	v4 =	vsub.s32 $0x1, v4;
	[tilespmem:s21+$0xFFFFFFA0] =	vst v2;
	v2 =	vld [tilespmem:s22+$0xB0]  }
0x58: {  	s23 =	simm.s32 $0x500;
	v5 =	vsub.s32 $0x1, v5;
	v4 =	vcvt.s32.f32 v4;
	v3 =	vshll.u32 v3, $0x1;
	v6 =	vld [tilespmem:s22+$0xFFFFFFB0]  }
0x59: {  	v8 =	vld [tilespmem:s23+$0x80];
	v5 =	vcvt.s32.f32 v5;
	v7 =	vshll.u32 v7, $0x1;
	v3 =	vsub.s32 $0x1, v3  }
0x5a: {  	[tilespmem:s21+$0x20] =	vst v4;
	v4 =	vsub.s32 $0x1, v7;
	v7 =	vld [tilespmem:s23+$0xFFFFFF80];
	v3 =	vcvt.s32.f32 v3;
	v0 =	vshll.u32 v0, $0x1  }
0x5b: {  	[tilespmem:s21+$0xFFFFFF20] =	vst v5;
	v5 =	vld [tilespmem:s23+$0x0];
	v4 =	vcvt.s32.f32 v4;
	v1 =	vshll.u32 v1, $0x1;
	v0 =	vsub.s32 $0x1, v0  }
0x5c: {  	[tilespmem:s20+$0xFFFFFF50] =	vst v3;
	v3 =	vld [tilespmem:s23+$0xFFFFFF00];
	v2 =	vshll.u32 v2, $0x1;
	v1 =	vsub.s32 $0x1, v1;
	v0 =	vcvt.s32.f32 v0  }
0x5d: {  	[tilespmem:s20+$0x50] =	vst v4;
	v4 =	vld [tilespmem:s22+$0xFFFFFF30];
	v6 =	vshll.u32 v6, $0x1;
	v2 =	vsub.s32 $0x1, v2;
	v1 =	vcvt.s32.f32 v1  }
0x5e: {  	v8 =	vshll.u32 v8, $0x1;
	v9 =	vld [tilespmem:s22+$0x30];
	v6 =	vsub.s32 $0x1, v6;
	v2 =	vcvt.s32.f32 v2;
	[tilespmem:s20+$0xE0] =	vst v0  }
0x5f: {  	v0 =	vshll.u32 v7, $0x1;
	v7 =	vsub.s32 $0x1, v8;
	v6 =	vcvt.s32.f32 v6;
	[tilespmem:s20+$0xFFFFFFE0] =	vst v1;
	v1 =	vld [tilespmem:s25+$0xF0]  }
0x60: {  	v5 =	vshll.u32 v5, $0x1;
	v0 =	vsub.s32 $0x1, v0;
	v7 =	vcvt.s32.f32 v7;
	[tilespmem:s21+$0xB0] =	vst v2;
	v2 =	vld [tilespmem:s25+$0xFFFFFF60]  }
0x61: {  	s24 =	simm.s32 $0xCD00;
	v5 =	vsub.s32 $0x1, v5;
	v3 =	vshll.u32 v3, $0x1;
	v0 =	vcvt.s32.f32 v0;
	[tilespmem:s21+$0xFFFFFFB0] =	vst v6;
	v6 =	vld [tilespmem:s22+$0xC0]  }
0x62: {  	v5 =	vcvt.s32.f32 v5;
	v4 =	vshll.u32 v4, $0x1;
	v3 =	vsub.s32 $0x1, v3;
	[tilespmem:s24+$0x80] =	vst v7;
	v7 =	vld [tilespmem:s22+$0xFFFFFFC0]  }
0x63: {  	v8 =	vshll.u32 v9, $0x1;
	v4 =	vsub.s32 $0x1, v4;
	v3 =	vcvt.s32.f32 v3;
	[tilespmem:s24+$0xFFFFFF80] =	vst v0;
	v0 =	vld [tilespmem:s23+$0x90]  }
0x64: {  	[tilespmem:s24+$0x0] =	vst v5;
	v5 =	vsub.s32 $0x1, v8;
	v4 =	vcvt.s32.f32 v4;
	v9 =	vld [tilespmem:s23+$0xFFFFFF90];
	v1 =	vshll.u32 v1, $0x1  }
0x65: {  	v5 =	vcvt.s32.f32 v5;
	[tilespmem:s24+$0xFFFFFF00] =	vst v3;
	v3 =	vld [tilespmem:s23+$0x10];
	v2 =	vshll.u32 v2, $0x1;
	v1 =	vsub.s32 $0x1, v1  }
0x66: {  	[tilespmem:s21+$0xFFFFFF30] =	vst v4;
	v8 =	vld [tilespmem:s23+$0xFFFFFF10];
	v4 =	vshll.u32 v6, $0x1;
	v2 =	vsub.s32 $0x1, v2;
	v1 =	vcvt.s32.f32 v1  }
0x67: {  	[tilespmem:s21+$0x30] =	vst v5;
	v6 =	vld [tilespmem:s22+$0xFFFFFF40];
	v7 =	vshll.u32 v7, $0x1;
	v4 =	vsub.s32 $0x1, v4;
	v2 =	vcvt.s32.f32 v2  }
0x68: {  	v0 =	vshll.u32 v0, $0x1;
	v5 =	vsub.s32 $0x1, v7;
	v7 =	vld [tilespmem:s22+$0x40];
	v4 =	vcvt.s32.f32 v4;
	[tilespmem:s20+$0xF0] =	vst v1  }
0x69: {  	v1 =	vshll.u32 v9, $0x1;
	v0 =	vsub.s32 $0x1, v0;
	v5 =	vcvt.s32.f32 v5;
	[tilespmem:s20+$0xFFFFFF60] =	vst v2;
	v2 =	vld [tilespmem:s25+$0x60]  }
0x6a: {  	v1 =	vsub.s32 $0x1, v1;
	v3 =	vshll.u32 v3, $0x1;
	v0 =	vcvt.s32.f32 v0;
	[tilespmem:s21+$0xC0] =	vst v4;
	v4 =	vld [tilespmem:s25+$0xFFFFFF70]  }
0x6b: {  	v8 =	vshll.u32 v8, $0x1;
	v1 =	vcvt.s32.f32 v1;
	v3 =	vsub.s32 $0x1, v3;
	[tilespmem:s21+$0xFFFFFFC0] =	vst v5;
	v5 =	vld [tilespmem:s22+$0xD0]  }
0x6c: {  	v8 =	vsub.s32 $0x1, v8;
	v3 =	vcvt.s32.f32 v3;
	[tilespmem:s24+$0x90] =	vst v0;
	v0 =	vshll.u32 v6, $0x1;
	v6 =	vld [tilespmem:s22+$0xFFFFFFD0]  }
0x6d: {  	v8 =	vcvt.s32.f32 v8;
	[tilespmem:s24+$0xFFFFFF90] =	vst v1;
	v1 =	vld [tilespmem:s23+$0xA0];
	v0 =	vsub.s32 $0x1, v0;
	v7 =	vshll.u32 v7, $0x1  }
0x6e: {  	v9 =	vld [tilespmem:s23+$0xFFFFFFA0];
	[tilespmem:s24+$0x10] =	vst v3;
	v0 =	vcvt.s32.f32 v0;
	v3 =	vsub.s32 $0x1, v7;
	v2 =	vshll.u32 v2, $0x1  }
0x6f: {  	[tilespmem:s24+$0xFFFFFF10] =	vst v8;
	v7 =	vld [tilespmem:s23+$0x20];
	v3 =	vcvt.s32.f32 v3;
	v4 =	vshll.u32 v4, $0x1;
	v2 =	vsub.s32 $0x1, v2  }
0x70: {  	v8 =	vld [tilespmem:s23+$0xFFFFFF20];
	[tilespmem:s21+$0xFFFFFF40] =	vst v0;
	v0 =	vshll.u32 v5, $0x1;
	v4 =	vsub.s32 $0x1, v4;
	v2 =	vcvt.s32.f32 v2  }
0x71: {  	v5 =	vld [tilespmem:s22+$0xFFFFFF50];
	v6 =	vshll.u32 v6, $0x1;
	[tilespmem:s21+$0x40] =	vst v3;
	v0 =	vsub.s32 $0x1, v0;
	v3 =	vcvt.s32.f32 v4  }
0x72: {  	v1 =	vshll.u32 v1, $0x1;
	v4 =	vsub.s32 $0x1, v6;
	v6 =	vld [tilespmem:s22+$0x50];
	v0 =	vcvt.s32.f32 v0;
	[tilespmem:s20+$0x60] =	vst v2  }
0x73: {  	v2 =	vshll.u32 v9, $0x1;
	v1 =	vsub.s32 $0x1, v1;
	v4 =	vcvt.s32.f32 v4;
	[tilespmem:s20+$0xFFFFFF70] =	vst v3;
	v3 =	vld [tilespmem:s25+$0xFFFFFFF0]  }
0x74: {  	v2 =	vsub.s32 $0x1, v2;
	v7 =	vshll.u32 v7, $0x1;
	v1 =	vcvt.s32.f32 v1;
	[tilespmem:s21+$0xD0] =	vst v0;
	v0 =	vld [tilespmem:s25+$0x70]  }
0x75: {  	v8 =	vshll.u32 v8, $0x1;
	v9 =	vcvt.s32.f32 v2;
	v7 =	vsub.s32 $0x1, v7;
	[tilespmem:s21+$0xFFFFFFD0] =	vst v4;
	v2 =	vld [tilespmem:s22+$0xE0]  }
0x76: {  	v4 =	vsub.s32 $0x1, v8;
	v10 =	vcvt.s32.f32 v7;
	[tilespmem:s24+$0xA0] =	vst v1;
	v5 =	vshll.u32 v5, $0x1;
	v1 =	vld [tilespmem:s22+$0xFFFFFFE0]  }
0x77: {  	v8 =	vcvt.s32.f32 v4;
	[tilespmem:s24+$0xFFFFFFA0] =	vst v9;
	v7 =	vld [tilespmem:s23+$0xB0];
	v4 =	vsub.s32 $0x1, v5;
	v5 =	vshll.u32 v6, $0x1  }
0x78: {  	s26 =	simm.s32 $0x700;
	s25 =	simm.s32 $0x8;
	v6 =	vld [tilespmem:s23+$0xFFFFFFB0];
	[tilespmem:s24+$0x20] =	vst v10;
	v4 =	vcvt.s32.f32 v4;
	v5 =	vsub.s32 $0x1, v5;
	v3 =	vshll.u32 v3, $0x1  }
.LBB2_3:
0x79: {  	v9 =	vld [tilespmem:s26+$0x80];
	s25 =	sadd.s32 $0x4, s25;
	[tilespmem:s24+$0xFFFFFF20] =	vst v8;
	v5 =	vcvt.s32.f32 v5;
	v3 =	vsub.s32 $0x1, v3;
	v0 =	vshll.u32 v0, $0x1  }
0x7a: {  	v8 =	vld [tilespmem:s26+$0xFFFFFF80];
	p2 =	slt.u32 s25, $0xC4;
	[tilespmem:s21+$0xFFFFFF50] =	vst v4;
	v2 =	vshll.u32 v2, $0x1;
	v3 =	vcvt.s32.f32 v3;
	v0 =	vsub.s32 $0x1, v0  }
0x7b: {  	v4 =	vld [tilespmem:s26+$0x0];
	v1 =	vshll.u32 v1, $0x1;
	[tilespmem:s21+$0x50] =	vst v5;
	v2 =	vsub.s32 $0x1, v2;
	v0 =	vcvt.s32.f32 v0  }
0x7c: {  	v5 =	vld [tilespmem:s26+$0xFFFFFF00];
	v7 =	vshll.u32 v7, $0x1;
	v1 =	vsub.s32 $0x1, v1;
	v2 =	vcvt.s32.f32 v2;
	[tilespmem:s20+$0xFFFFFFF0] =	vst v3  }
0x7d: {  	v3 =	vld [tilespmem:s23+$0xFFFFFF30];
	v6 =	vshll.u32 v6, $0x1;
	v7 =	vsub.s32 $0x1, v7;
	v1 =	vcvt.s32.f32 v1;
	[tilespmem:s20+$0x70] =	vst v0;
	s20 =	smov.u32 s21;
	s21 =	smov.u32 s24  }
0x7e: {  	v0 =	vshll.u32 v9, $0x1;
	v6 =	vsub.s32 $0x1, v6;
	v9 =	vld [tilespmem:s23+$0x30];
	v7 =	vcvt.s32.f32 v7;
	[tilespmem:s20+$0xE0] =	vst v2  }
0x7f: {  	v2 =	vshll.u32 v8, $0x1;
	v0 =	vsub.s32 $0x1, v0;
	v6 =	vcvt.s32.f32 v6;
	[tilespmem:s20+$0xFFFFFFE0] =	vst v1;
	v1 =	vld [tilespmem:s22+$0xF0]  }
0x80: {  	v2 =	vsub.s32 $0x1, v2;
	v4 =	vshll.u32 v4, $0x1;
	v0 =	vcvt.s32.f32 v0;
	[tilespmem:s24+$0xB0] =	vst v7;
	v7 =	vld [tilespmem:s22+$0xFFFFFF60]  }
0x81: {  	s24 =	sadd.s32 $0x200, s24;
	v5 =	vshll.u32 v5, $0x1;
	v2 =	vcvt.s32.f32 v2;
	v4 =	vsub.s32 $0x1, v4;
	[tilespmem:s21+$0xFFFFFFB0] =	vst v6;
	v6 =	vld [tilespmem:s23+$0xC0]  }
0x82: {  	v5 =	vsub.s32 $0x1, v5;
	v4 =	vcvt.s32.f32 v4;
	[tilespmem:s24+$0x80] =	vst v0;
	v0 =	vshll.u32 v3, $0x1;
	v3 =	vld [tilespmem:s23+$0xFFFFFFC0]  }
0x83: {  	v5 =	vcvt.s32.f32 v5;
	[tilespmem:s24+$0xFFFFFF80] =	vst v2;
	v2 =	vld [tilespmem:s26+$0x90];
	v0 =	vsub.s32 $0x1, v0;
	v8 =	vshll.u32 v9, $0x1  }
0x84: {  	v9 =	vld [tilespmem:s26+$0xFFFFFF90];
	[tilespmem:s24+$0x0] =	vst v4;
	v0 =	vcvt.s32.f32 v0;
	v4 =	vsub.s32 $0x1, v8;
	v1 =	vshll.u32 v1, $0x1  }
0x85: {  	[tilespmem:s24+$0xFFFFFF00] =	vst v5;
	v5 =	vld [tilespmem:s26+$0x10];
	v4 =	vcvt.s32.f32 v4;
	v7 =	vshll.u32 v7, $0x1;
	v1 =	vsub.s32 $0x1, v1  }
0x86: {  	v8 =	vld [tilespmem:s26+$0xFFFFFF10];
	[tilespmem:s21+$0xFFFFFF30] =	vst v0;
	v0 =	vshll.u32 v6, $0x1;
	v6 =	vsub.s32 $0x1, v7;
	v1 =	vcvt.s32.f32 v1  }
0x87: {  	v7 =	vld [tilespmem:s23+$0xFFFFFF40];
	v3 =	vshll.u32 v3, $0x1;
	[tilespmem:s21+$0x30] =	vst v4;
	v0 =	vsub.s32 $0x1, v0;
	v4 =	vcvt.s32.f32 v6  }
0x88: {  	v2 =	vshll.u32 v2, $0x1;
	v3 =	vsub.s32 $0x1, v3;
	v6 =	vld [tilespmem:s23+$0x40];
	v0 =	vcvt.s32.f32 v0;
	[tilespmem:s20+$0xF0] =	vst v1  }
0x89: {  	v1 =	vshll.u32 v9, $0x1;
	v2 =	vsub.s32 $0x1, v2;
	v3 =	vcvt.s32.f32 v3;
	[tilespmem:s20+$0xFFFFFF60] =	vst v4;
	v4 =	vld [tilespmem:s22+$0x60]  }
0x8a: {  	v1 =	vsub.s32 $0x1, v1;
	v5 =	vshll.u32 v5, $0x1;
	v2 =	vcvt.s32.f32 v2;
	[tilespmem:s21+$0xC0] =	vst v0;
	v0 =	vld [tilespmem:s22+$0xFFFFFF70]  }
0x8b: {  	v8 =	vshll.u32 v8, $0x1;
	v1 =	vcvt.s32.f32 v1;
	v5 =	vsub.s32 $0x1, v5;
	[tilespmem:s21+$0xFFFFFFC0] =	vst v3;
	v3 =	vld [tilespmem:s23+$0xD0]  }
0x8c: {  	v8 =	vsub.s32 $0x1, v8;
	v5 =	vcvt.s32.f32 v5;
	[tilespmem:s24+$0x90] =	vst v2;
	v2 =	vshll.u32 v7, $0x1;
	v7 =	vld [tilespmem:s23+$0xFFFFFFD0]  }
0x8d: {  	v8 =	vcvt.s32.f32 v8;
	[tilespmem:s24+$0xFFFFFF90] =	vst v1;
	v1 =	vld [tilespmem:s26+$0xA0];
	v2 =	vsub.s32 $0x1, v2;
	v6 =	vshll.u32 v6, $0x1  }
0x8e: {  	v9 =	vld [tilespmem:s26+$0xFFFFFFA0];
	[tilespmem:s24+$0x10] =	vst v5;
	v2 =	vcvt.s32.f32 v2;
	v5 =	vsub.s32 $0x1, v6;
	v4 =	vshll.u32 v4, $0x1  }
0x8f: {  	[tilespmem:s24+$0xFFFFFF10] =	vst v8;
	v6 =	vld [tilespmem:s26+$0x20];
	v5 =	vcvt.s32.f32 v5;
	v0 =	vshll.u32 v0, $0x1;
	v4 =	vsub.s32 $0x1, v4  }
0x90: {  	v8 =	vld [tilespmem:s26+$0xFFFFFF20];
	[tilespmem:s21+$0xFFFFFF40] =	vst v2;
	v2 =	vshll.u32 v3, $0x1;
	v0 =	vsub.s32 $0x1, v0;
	v3 =	vcvt.s32.f32 v4  }
0x91: {  	v4 =	vld [tilespmem:s23+$0xFFFFFF50];
	v7 =	vshll.u32 v7, $0x1;
	[tilespmem:s21+$0x40] =	vst v5;
	v2 =	vsub.s32 $0x1, v2;
	v0 =	vcvt.s32.f32 v0  }
0x92: {  	v1 =	vshll.u32 v1, $0x1;
	v5 =	vsub.s32 $0x1, v7;
	v10 =	vld [tilespmem:s23+$0x50];
	v2 =	vcvt.s32.f32 v2;
	[tilespmem:s20+$0x60] =	vst v3  }
0x93: {  	v3 =	vshll.u32 v9, $0x1;
	v1 =	vsub.s32 $0x1, v1;
	v5 =	vcvt.s32.f32 v5;
	[tilespmem:s20+$0xFFFFFF70] =	vst v0;
	v9 =	vld [tilespmem:s22+$0xFFFFFFF0]  }
.Ltmp2:
0x94: {  	v3 =	vsub.s32 $0x1, v3;
	v6 =	vshll.u32 v6, $0x1;
	v1 =	vcvt.s32.f32 v1;
	[tilespmem:s21+$0xD0] =	vst v2;
	v0 =	vld [tilespmem:s22+$0x70];
	s22 =	smov.u32 s23;
	s23 =	smov.u32 s26;
	(pc) =	sbr.rel @p2 .LBB2_3-.Ltmp2, $4  }
0x95: {  	v7 =	vshll.u32 v8, $0x1;
	v3 =	vcvt.s32.f32 v3;
	v6 =	vsub.s32 $0x1, v6;
	[tilespmem:s21+$0xFFFFFFD0] =	vst v5;
	v2 =	vld [tilespmem:s22+$0xE0]  }
0x96: {  	v5 =	vsub.s32 $0x1, v7;
	v11 =	vcvt.s32.f32 v6;
	[tilespmem:s24+$0xA0] =	vst v1;
	v4 =	vshll.u32 v4, $0x1;
	v1 =	vld [tilespmem:s22+$0xFFFFFFE0]  }
0x97: {  	v8 =	vcvt.s32.f32 v5;
	[tilespmem:s24+$0xFFFFFFA0] =	vst v3;
	v7 =	vld [tilespmem:s26+$0xB0];
	v3 =	vsub.s32 $0x1, v4;
	v5 =	vshll.u32 v10, $0x1  }
0x98: {  	s26 =	sadd.s32 $0x200, s26;
	v6 =	vld [tilespmem:s23+$0xFFFFFFB0];
	[tilespmem:s24+$0x20] =	vst v11;
	v4 =	vcvt.s32.f32 v3;
	v5 =	vsub.s32 $0x1, v5;
	v3 =	vshll.u32 v9, $0x1  }
0x99: {  	[tilespmem:s24+$0xFFFFFF20] =	vst v8  }
0x9a: {  	v8 =	vld [tilespmem:s23+$0xFFFFFF30];
	_ =	sdelay $0x1  }
0x9b: {  	v9 =	vld [tilespmem:s23+$0x30];
	_ =	sdelay $0x1  }
0x9c: {  	v7 =	vshll.u32 v7, $0x1  }
0x9d: {  	v7 =	vsub.s32 $0x1, v7;
	v8 =	vshll.u32 v8, $0x1  }
0x9e: {  	v6 =	vshll.u32 v6, $0x1;
	v7 =	vcvt.s32.f32 v7;
	v8 =	vsub.s32 $0x1, v8  }
0x9f: {  	v6 =	vsub.s32 $0x1, v6;
	v9 =	vshll.u32 v9, $0x1;
	v8 =	vcvt.s32.f32 v8  }
0xa0: {  	v6 =	vcvt.s32.f32 v6;
	[tilespmem:s24+$0xB0] =	vst v7;
	v7 =	vsub.s32 $0x1, v9  }
0xa1: {  	v9 =	vld [tilespmem:s23+$0xC0];
	v7 =	vcvt.s32.f32 v7;
	[tilespmem:s24+$0xFFFFFF30] =	vst v8  }
0xa2: {  	[tilespmem:s24+$0xFFFFFFB0] =	vst v6;
	v6 =	vld [tilespmem:s23+$0xFFFFFF40]  }
0xa3: {  	v8 =	vld [tilespmem:s23+$0xFFFFFFC0];
	[tilespmem:s24+$0x30] =	vst v7  }
0xa4: {  	v7 =	vld [tilespmem:s23+$0x40];
	_ =	sdelay $0x1  }
0xa5: {  	v9 =	vshll.u32 v9, $0x1  }
0xa6: {  	v9 =	vsub.s32 $0x1, v9;
	v6 =	vshll.u32 v6, $0x1  }
0xa7: {  	v8 =	vshll.u32 v8, $0x1;
	v9 =	vcvt.s32.f32 v9;
	v6 =	vsub.s32 $0x1, v6  }
0xa8: {  	v8 =	vsub.s32 $0x1, v8;
	v7 =	vshll.u32 v7, $0x1;
	v6 =	vcvt.s32.f32 v6  }
0xa9: {  	v8 =	vcvt.s32.f32 v8;
	[tilespmem:s24+$0xC0] =	vst v9;
	v7 =	vsub.s32 $0x1, v7  }
0xaa: {  	v9 =	vld [tilespmem:s23+$0xD0];
	v7 =	vcvt.s32.f32 v7;
	[tilespmem:s24+$0xFFFFFF40] =	vst v6  }
0xab: {  	[tilespmem:s24+$0xFFFFFFC0] =	vst v8;
	v6 =	vld [tilespmem:s23+$0xFFFFFF50]  }
0xac: {  	v8 =	vld [tilespmem:s23+$0xFFFFFFD0];
	[tilespmem:s24+$0x40] =	vst v7  }
0xad: {  	v7 =	vld [tilespmem:s23+$0x50];
	_ =	sdelay $0x1  }
0xae: {  	v9 =	vshll.u32 v9, $0x1  }
0xaf: {  	v5 =	vcvt.s32.f32 v5;
	[tilespmem:s21+$0xFFFFFF50] =	vst v4;
	v4 =	vsub.s32 $0x1, v9;
	v6 =	vshll.u32 v6, $0x1  }
0xb0: {  	v9 =	vld [tilespmem:s22+$0xFFFFFF60];
	v8 =	vshll.u32 v8, $0x1;
	v4 =	vcvt.s32.f32 v4;
	v6 =	vsub.s32 $0x1, v6  }
0xb1: {  	[tilespmem:s21+$0x50] =	vst v5;
	v5 =	vsub.s32 $0x1, v8;
	v7 =	vshll.u32 v7, $0x1;
	v6 =	vcvt.s32.f32 v6  }
0xb2: {  	v8 =	vld [tilespmem:s22+$0x60];
	v5 =	vcvt.s32.f32 v5;
	[tilespmem:s24+$0xD0] =	vst v4;
	v4 =	vsub.s32 $0x1, v7  }
0xb3: {  	v7 =	vld [tilespmem:s23+$0xE0];
	v4 =	vcvt.s32.f32 v4;
	[tilespmem:s24+$0xFFFFFF50] =	vst v6  }
0xb4: {  	v2 =	vshll.u32 v2, $0x1;
	[tilespmem:s24+$0xFFFFFFD0] =	vst v5;
	v5 =	vld [tilespmem:s23+$0xFFFFFF60]  }
0xb5: {  	v2 =	vsub.s32 $0x1, v2;
	v6 =	vshll.u32 v9, $0x1;
	v9 =	vld [tilespmem:s23+$0xFFFFFFE0];
	[tilespmem:s24+$0x50] =	vst v4  }
0xb6: {  	v1 =	vshll.u32 v1, $0x1;
	v2 =	vcvt.s32.f32 v2;
	v4 =	vsub.s32 $0x1, v6;
	v6 =	vld [tilespmem:s23+$0x60]  }
0xb7: {  	v1 =	vsub.s32 $0x1, v1;
	v8 =	vshll.u32 v8, $0x1;
	v4 =	vcvt.s32.f32 v4  }
0xb8: {  	v1 =	vcvt.s32.f32 v1;
	[tilespmem:s21+$0xE0] =	vst v2;
	v2 =	vsub.s32 $0x1, v8;
	v7 =	vshll.u32 v7, $0x1  }
0xb9: {  	v8 =	vld [tilespmem:s22+$0xF0];
	v2 =	vcvt.s32.f32 v2;
	[tilespmem:s21+$0xFFFFFF60] =	vst v4;
	v4 =	vsub.s32 $0x1, v7;
	v5 =	vshll.u32 v5, $0x1  }
0xba: {  	[tilespmem:s21+$0xFFFFFFE0] =	vst v1;
	v1 =	vld [tilespmem:s22+$0xFFFFFF70];
	v7 =	vshll.u32 v9, $0x1;
	v4 =	vcvt.s32.f32 v4;
	v5 =	vsub.s32 $0x1, v5  }
0xbb: {  	[tilespmem:s21+$0x60] =	vst v2;
	v2 =	vld [tilespmem:s22+$0xFFFFFFF0];
	v7 =	vsub.s32 $0x1, v7;
	v6 =	vshll.u32 v6, $0x1;
	v5 =	vcvt.s32.f32 v5  }
0xbc: {  	v9 =	vld [tilespmem:s22+$0x70];
	v7 =	vcvt.s32.f32 v7;
	[tilespmem:s24+$0xE0] =	vst v4;
	v4 =	vsub.s32 $0x1, v6  }
0xbd: {  	v3 =	vsub.s32 $0x1, v3;
	v0 =	vshll.u32 v0, $0x1;
	v6 =	vld [tilespmem:s23+$0xF0];
	v4 =	vcvt.s32.f32 v4;
	[tilespmem:s24+$0xFFFFFF60] =	vst v5  }
0xbe: {  	v3 =	vcvt.s32.f32 v3;
	v0 =	vsub.s32 $0x1, v0;
	[tilespmem:s24+$0xFFFFFFE0] =	vst v7;
	v5 =	vshll.u32 v8, $0x1;
	v7 =	vld [tilespmem:s23+$0xFFFFFF70]  }
0xbf: {  	v0 =	vcvt.s32.f32 v0;
	v1 =	vshll.u32 v1, $0x1;
	[tilespmem:s24+$0x60] =	vst v4;
	v4 =	vld [tilespmem:s23+$0xFFFFFFF0];
	v5 =	vsub.s32 $0x1, v5  }
0xc0: {  	[tilespmem:s20+$0xFFFFFFF0] =	vst v3;
	v2 =	vshll.u32 v2, $0x1;
	v1 =	vsub.s32 $0x1, v1;
	v3 =	vcvt.s32.f32 v5;
	v5 =	vld [tilespmem:s23+$0x70]  }
0xc1: {  	[tilespmem:s20+$0x70] =	vst v0;
	v0 =	vcvt.s32.f32 v1;
	v1 =	vsub.s32 $0x1, v2;
	v2 =	vshll.u32 v9, $0x1  }
0xc2: {  	v1 =	vcvt.s32.f32 v1;
	v2 =	vsub.s32 $0x1, v2;
	[tilespmem:s21+$0xF0] =	vst v3;
	v3 =	vshll.u32 v6, $0x1  }
0xc3: {  	[tilespmem:s21+$0xFFFFFF70] =	vst v0;
	v0 =	vcvt.s32.f32 v2;
	v2 =	vsub.s32 $0x1, v3;
	v3 =	vshll.u32 v7, $0x1  }
0xc4: {  	[tilespmem:s21+$0xFFFFFFF0] =	vst v1;
	v1 =	vcvt.s32.f32 v2;
	v2 =	vsub.s32 $0x1, v3;
	v3 =	vshll.u32 v4, $0x1  }
0xc5: {  	[tilespmem:s21+$0x70] =	vst v0;
	v0 =	vcvt.s32.f32 v2;
	v2 =	vsub.s32 $0x1, v3;
	v3 =	vshll.u32 v5, $0x1  }
0xc6: {  	[tilespmem:s24+$0xF0] =	vst v1;
	v1 =	vcvt.s32.f32 v2;
	v2 =	vsub.s32 $0x1, v3  }
0xc7: {  	[tilespmem:s24+$0xFFFFFF70] =	vst v0;
	v0 =	vcvt.s32.f32 v2  }
0xc8: {  	[tilespmem:s24+$0xFFFFFFF0] =	vst v1  }
0xc9: {  	s31 =	sadd.s32 s19, s5;
	[tilespmem:s24+$0x70] =	vst v0  }
0xca: {  	[hbm4b:s31+s9] =	stream.strided.scatter [tilespmem:s13], [sflag:$0x3], $0x6400, s10, s9, $0x38;
	[tilespmem:$0x19000] =	vst v63  }
0xcb: {  	s20 =	simm.s32 @p0 $0x400;
	s22 =	simm.s32 @p0 $0x0;
	s21 =	simm.s32 @p0 $0x20000  }
0xcc: {  	[tilespmem:s22], [sflag:$0x1] =	stream.strided.gather @p0 [hbm4b:s6+s20], $0x6400, s21, s20, $0x38;
	[tilespmem:$0x19000] =	vst v63  }
0xcd: {  	_ =	swait.ge [sflag:s14], $0x6400  }
0xce: {  	[sflag:s14] =	ssyncset.done $0x0  }
0xcf: {  	s20 =	simm.s32 @p1 $0x4;
	[sflag:s14] =	ssyncadd.s32 $0xFFFF9C00  }
0xd0: {  	_ =	swait.ge @p1 [sflag:s20], $0x6400  }
0xd1: {  	[sflag:s20] =	ssyncset.done @p1 $0x0  }
0xd2: {  	s25 =	simm.s32 $0x6500;
	[sflag:s20] =	ssyncadd.s32 @p1 $0xFFFF9C00  }
0xd3: {  	v0 =	vld [tilespmem:s25+$0x80]  }
0xd4: {  	v1 =	vld [tilespmem:s25+$0xFFFFFF80];
	_ =	sdelay $0x3  }
0xd5: {  	v0 =	vshll.u32 v0, $0x1  }
0xd6: {  	v1 =	vshll.u32 v1, $0x1;
	v0 =	vsub.s32 $0x1, v0  }
0xd7: {  	v1 =	vsub.s32 $0x1, v1;
	v0 =	vcvt.s32.f32 v0  }
0xd8: {  	s20 =	simm.s32 $0x12D00;
	v2 =	vld [tilespmem:s25+$0xFFFFFF00];
	v1 =	vcvt.s32.f32 v1  }
0xd9: {  	v3 =	vld [tilespmem:s25+$0x0];
	[tilespmem:s20+$0x80] =	vst v0  }
0xda: {  	[tilespmem:s20+$0xFFFFFF80] =	vst v1;
	v0 =	vld [tilespmem:s25+$0x90]  }
0xdb: {  	v1 =	vld [tilespmem:s25+$0xFFFFFF90];
	_ =	sdelay $0x1  }
0xdc: {  	v2 =	vshll.u32 v2, $0x1  }
0xdd: {  	v3 =	vshll.u32 v3, $0x1;
	v2 =	vsub.s32 $0x1, v2  }
0xde: {  	v3 =	vsub.s32 $0x1, v3;
	v2 =	vcvt.s32.f32 v2;
	v0 =	vshll.u32 v0, $0x1  }
0xdf: {  	v3 =	vcvt.s32.f32 v3;
	v1 =	vshll.u32 v1, $0x1;
	v0 =	vsub.s32 $0x1, v0  }
0xe0: {  	[tilespmem:s20+$0xFFFFFF00] =	vst v2;
	v1 =	vsub.s32 $0x1, v1;
	v0 =	vcvt.s32.f32 v0  }
0xe1: {  	[tilespmem:s20+$0x0] =	vst v3;
	v2 =	vld [tilespmem:s25+$0xFFFFFF10];
	v1 =	vcvt.s32.f32 v1  }
0xe2: {  	v3 =	vld [tilespmem:s25+$0x10];
	[tilespmem:s20+$0x90] =	vst v0  }
0xe3: {  	[tilespmem:s20+$0xFFFFFF90] =	vst v1;
	v0 =	vld [tilespmem:s25+$0xA0]  }
0xe4: {  	v1 =	vld [tilespmem:s25+$0xFFFFFFA0];
	_ =	sdelay $0x1  }
0xe5: {  	v2 =	vshll.u32 v2, $0x1  }
0xe6: {  	v3 =	vshll.u32 v3, $0x1;
	v2 =	vsub.s32 $0x1, v2  }
0xe7: {  	v3 =	vsub.s32 $0x1, v3;
	v2 =	vcvt.s32.f32 v2;
	v0 =	vshll.u32 v0, $0x1  }
0xe8: {  	v3 =	vcvt.s32.f32 v3;
	v1 =	vshll.u32 v1, $0x1;
	v0 =	vsub.s32 $0x1, v0  }
0xe9: {  	[tilespmem:s20+$0xFFFFFF10] =	vst v2;
	v1 =	vsub.s32 $0x1, v1;
	v0 =	vcvt.s32.f32 v0  }
0xea: {  	[tilespmem:s20+$0x10] =	vst v3;
	v2 =	vld [tilespmem:s25+$0xFFFFFF20];
	v1 =	vcvt.s32.f32 v1  }
0xeb: {  	v3 =	vld [tilespmem:s25+$0x20];
	[tilespmem:s20+$0xA0] =	vst v0  }
0xec: {  	[tilespmem:s20+$0xFFFFFFA0] =	vst v1;
	v0 =	vld [tilespmem:s25+$0xB0]  }
0xed: {  	s22 =	simm.s32 $0x6700;
	v1 =	vld [tilespmem:s25+$0xFFFFFFB0]  }
0xee: {  	v4 =	vld [tilespmem:s22+$0x80]  }
0xef: {  	v5 =	vld [tilespmem:s22+$0xFFFFFF80];
	v2 =	vshll.u32 v2, $0x1  }
0xf0: {  	v3 =	vshll.u32 v3, $0x1;
	v2 =	vsub.s32 $0x1, v2  }
0xf1: {  	v3 =	vsub.s32 $0x1, v3;
	v2 =	vcvt.s32.f32 v2;
	v0 =	vshll.u32 v0, $0x1  }
0xf2: {  	v6 =	vld [tilespmem:s22+$0x0];
	v3 =	vcvt.s32.f32 v3;
	v1 =	vshll.u32 v1, $0x1;
	v0 =	vsub.s32 $0x1, v0  }
0xf3: {  	v4 =	vshll.u32 v4, $0x1;
	[tilespmem:s20+$0xFFFFFF20] =	vst v2;
	v2 =	vld [tilespmem:s22+$0xFFFFFF00];
	v1 =	vsub.s32 $0x1, v1;
	v0 =	vcvt.s32.f32 v0  }
0xf4: {  	v5 =	vshll.u32 v5, $0x1;
	v4 =	vsub.s32 $0x1, v4;
	[tilespmem:s20+$0x20] =	vst v3;
	v3 =	vld [tilespmem:s25+$0xFFFFFF30];
	v1 =	vcvt.s32.f32 v1  }
0xf5: {  	v5 =	vsub.s32 $0x1, v5;
	v4 =	vcvt.s32.f32 v4;
	v7 =	vld [tilespmem:s25+$0x30];
	[tilespmem:s20+$0xB0] =	vst v0  }
0xf6: {  	s21 =	simm.s32 $0x12F00;
	v0 =	vcvt.s32.f32 v5;
	[tilespmem:s20+$0xFFFFFFB0] =	vst v1;
	v1 =	vld [tilespmem:s25+$0xC0]  }
0xf7: {  	[tilespmem:s21+$0x80] =	vst v4;
	v5 =	vshll.u32 v6, $0x1;
	v4 =	vld [tilespmem:s25+$0xFFFFFFC0]  }
0xf8: {  	v2 =	vshll.u32 v2, $0x1;
	v5 =	vsub.s32 $0x1, v5;
	[tilespmem:s21+$0xFFFFFF80] =	vst v0;
	v0 =	vld [tilespmem:s22+$0x90]  }
0xf9: {  	v2 =	vsub.s32 $0x1, v2;
	v3 =	vshll.u32 v3, $0x1;
	v5 =	vcvt.s32.f32 v5;
	v6 =	vld [tilespmem:s22+$0xFFFFFF90]  }
0xfa: {  	v7 =	vshll.u32 v7, $0x1;
	v2 =	vcvt.s32.f32 v2;
	v3 =	vsub.s32 $0x1, v3  }
0xfb: {  	v3 =	vcvt.s32.f32 v3;
	[tilespmem:s21+$0x0] =	vst v5;
	v5 =	vsub.s32 $0x1, v7;
	v1 =	vshll.u32 v1, $0x1  }
0xfc: {  	[tilespmem:s21+$0xFFFFFF00] =	vst v2;
	v2 =	vld [tilespmem:s22+$0x10];
	v5 =	vcvt.s32.f32 v5;
	v4 =	vshll.u32 v4, $0x1;
	v1 =	vsub.s32 $0x1, v1  }
0xfd: {  	[tilespmem:s20+$0xFFFFFF30] =	vst v3;
	v7 =	vld [tilespmem:s22+$0xFFFFFF10];
	v0 =	vshll.u32 v0, $0x1;
	v3 =	vsub.s32 $0x1, v4;
	v1 =	vcvt.s32.f32 v1  }
0xfe: {  	v4 =	vld [tilespmem:s25+$0xFFFFFF40];
	[tilespmem:s20+$0x30] =	vst v5;
	v5 =	vshll.u32 v6, $0x1;
	v0 =	vsub.s32 $0x1, v0;
	v3 =	vcvt.s32.f32 v3  }
0xff: {  	v6 =	vld [tilespmem:s25+$0x40];
	v5 =	vsub.s32 $0x1, v5;
	v0 =	vcvt.s32.f32 v0;
	[tilespmem:s20+$0xC0] =	vst v1  }
0x100: {  	v1 =	vcvt.s32.f32 v5;
	[tilespmem:s20+$0xFFFFFFC0] =	vst v3;
	v3 =	vld [tilespmem:s25+$0xD0]  }
0x101: {  	v2 =	vshll.u32 v2, $0x1;
	[tilespmem:s21+$0x90] =	vst v0;
	v0 =	vld [tilespmem:s25+$0xFFFFFFD0]  }
0x102: {  	v5 =	vshll.u32 v7, $0x1;
	v2 =	vsub.s32 $0x1, v2;
	[tilespmem:s21+$0xFFFFFF90] =	vst v1;
	v1 =	vld [tilespmem:s22+$0xA0]  }
0x103: {  	v5 =	vsub.s32 $0x1, v5;
	v2 =	vcvt.s32.f32 v2;
	v4 =	vshll.u32 v4, $0x1;
	v7 =	vld [tilespmem:s22+$0xFFFFFFA0]  }
0x104: {  	v5 =	vcvt.s32.f32 v5;
	v4 =	vsub.s32 $0x1, v4;
	v6 =	vshll.u32 v6, $0x1  }
0x105: {  	[tilespmem:s21+$0x10] =	vst v2;
	v2 =	vcvt.s32.f32 v4;
	v4 =	vsub.s32 $0x1, v6;
	v3 =	vshll.u32 v3, $0x1  }
0x106: {  	[tilespmem:s21+$0xFFFFFF10] =	vst v5;
	v5 =	vld [tilespmem:s22+$0x20];
	v4 =	vcvt.s32.f32 v4;
	v0 =	vshll.u32 v0, $0x1;
	v3 =	vsub.s32 $0x1, v3  }
0x107: {  	v6 =	vld [tilespmem:s22+$0xFFFFFF20];
	[tilespmem:s20+$0xFFFFFF40] =	vst v2;
	v1 =	vshll.u32 v1, $0x1;
	v0 =	vsub.s32 $0x1, v0;
	v2 =	vcvt.s32.f32 v3  }
0x108: {  	[tilespmem:s20+$0x40] =	vst v4;
	v3 =	vld [tilespmem:s25+$0xFFFFFF50];
	v4 =	vshll.u32 v7, $0x1;
	v1 =	vsub.s32 $0x1, v1;
	v0 =	vcvt.s32.f32 v0  }
0x109: {  	v7 =	vld [tilespmem:s25+$0x50];
	v4 =	vsub.s32 $0x1, v4;
	v1 =	vcvt.s32.f32 v1;
	[tilespmem:s20+$0xD0] =	vst v2  }
0x10a: {  	v2 =	vcvt.s32.f32 v4;
	[tilespmem:s20+$0xFFFFFFD0] =	vst v0;
	v0 =	vld [tilespmem:s25+$0xE0]  }
0x10b: {  	v4 =	vshll.u32 v5, $0x1;
	[tilespmem:s21+$0xA0] =	vst v1;
	v1 =	vld [tilespmem:s25+$0xFFFFFFE0]  }
0x10c: {  	v5 =	vshll.u32 v6, $0x1;
	v4 =	vsub.s32 $0x1, v4;
	[tilespmem:s21+$0xFFFFFFA0] =	vst v2;
	v2 =	vld [tilespmem:s22+$0xB0]  }
0x10d: {  	s23 =	simm.s32 $0x6900;
	v5 =	vsub.s32 $0x1, v5;
	v4 =	vcvt.s32.f32 v4;
	v3 =	vshll.u32 v3, $0x1;
	v6 =	vld [tilespmem:s22+$0xFFFFFFB0]  }
0x10e: {  	v8 =	vld [tilespmem:s23+$0x80];
	v5 =	vcvt.s32.f32 v5;
	v7 =	vshll.u32 v7, $0x1;
	v3 =	vsub.s32 $0x1, v3  }
0x10f: {  	[tilespmem:s21+$0x20] =	vst v4;
	v4 =	vsub.s32 $0x1, v7;
	v7 =	vld [tilespmem:s23+$0xFFFFFF80];
	v3 =	vcvt.s32.f32 v3;
	v0 =	vshll.u32 v0, $0x1  }
0x110: {  	[tilespmem:s21+$0xFFFFFF20] =	vst v5;
	v5 =	vld [tilespmem:s23+$0x0];
	v4 =	vcvt.s32.f32 v4;
	v1 =	vshll.u32 v1, $0x1;
	v0 =	vsub.s32 $0x1, v0  }
0x111: {  	[tilespmem:s20+$0xFFFFFF50] =	vst v3;
	v3 =	vld [tilespmem:s23+$0xFFFFFF00];
	v2 =	vshll.u32 v2, $0x1;
	v1 =	vsub.s32 $0x1, v1;
	v0 =	vcvt.s32.f32 v0  }
0x112: {  	[tilespmem:s20+$0x50] =	vst v4;
	v4 =	vld [tilespmem:s22+$0xFFFFFF30];
	v6 =	vshll.u32 v6, $0x1;
	v2 =	vsub.s32 $0x1, v2;
	v1 =	vcvt.s32.f32 v1  }
0x113: {  	v8 =	vshll.u32 v8, $0x1;
	v9 =	vld [tilespmem:s22+$0x30];
	v6 =	vsub.s32 $0x1, v6;
	v2 =	vcvt.s32.f32 v2;
	[tilespmem:s20+$0xE0] =	vst v0  }
0x114: {  	v0 =	vshll.u32 v7, $0x1;
	v7 =	vsub.s32 $0x1, v8;
	v6 =	vcvt.s32.f32 v6;
	[tilespmem:s20+$0xFFFFFFE0] =	vst v1;
	v1 =	vld [tilespmem:s25+$0xF0]  }
0x115: {  	v5 =	vshll.u32 v5, $0x1;
	v0 =	vsub.s32 $0x1, v0;
	v7 =	vcvt.s32.f32 v7;
	[tilespmem:s21+$0xB0] =	vst v2;
	v2 =	vld [tilespmem:s25+$0xFFFFFF60]  }
0x116: {  	s24 =	simm.s32 $0x13100;
	v5 =	vsub.s32 $0x1, v5;
	v3 =	vshll.u32 v3, $0x1;
	v0 =	vcvt.s32.f32 v0;
	[tilespmem:s21+$0xFFFFFFB0] =	vst v6;
	v6 =	vld [tilespmem:s22+$0xC0]  }
0x117: {  	v5 =	vcvt.s32.f32 v5;
	v4 =	vshll.u32 v4, $0x1;
	v3 =	vsub.s32 $0x1, v3;
	[tilespmem:s24+$0x80] =	vst v7;
	v7 =	vld [tilespmem:s22+$0xFFFFFFC0]  }
0x118: {  	v8 =	vshll.u32 v9, $0x1;
	v4 =	vsub.s32 $0x1, v4;
	v3 =	vcvt.s32.f32 v3;
	[tilespmem:s24+$0xFFFFFF80] =	vst v0;
	v0 =	vld [tilespmem:s23+$0x90]  }
0x119: {  	[tilespmem:s24+$0x0] =	vst v5;
	v5 =	vsub.s32 $0x1, v8;
	v4 =	vcvt.s32.f32 v4;
	v9 =	vld [tilespmem:s23+$0xFFFFFF90];
	v1 =	vshll.u32 v1, $0x1  }
0x11a: {  	v5 =	vcvt.s32.f32 v5;
	[tilespmem:s24+$0xFFFFFF00] =	vst v3;
	v3 =	vld [tilespmem:s23+$0x10];
	v2 =	vshll.u32 v2, $0x1;
	v1 =	vsub.s32 $0x1, v1  }
0x11b: {  	[tilespmem:s21+$0xFFFFFF30] =	vst v4;
	v8 =	vld [tilespmem:s23+$0xFFFFFF10];
	v4 =	vshll.u32 v6, $0x1;
	v2 =	vsub.s32 $0x1, v2;
	v1 =	vcvt.s32.f32 v1  }
0x11c: {  	[tilespmem:s21+$0x30] =	vst v5;
	v6 =	vld [tilespmem:s22+$0xFFFFFF40];
	v7 =	vshll.u32 v7, $0x1;
	v4 =	vsub.s32 $0x1, v4;
	v2 =	vcvt.s32.f32 v2  }
0x11d: {  	v0 =	vshll.u32 v0, $0x1;
	v5 =	vsub.s32 $0x1, v7;
	v7 =	vld [tilespmem:s22+$0x40];
	v4 =	vcvt.s32.f32 v4;
	[tilespmem:s20+$0xF0] =	vst v1  }
0x11e: {  	v1 =	vshll.u32 v9, $0x1;
	v0 =	vsub.s32 $0x1, v0;
	v5 =	vcvt.s32.f32 v5;
	[tilespmem:s20+$0xFFFFFF60] =	vst v2;
	v2 =	vld [tilespmem:s25+$0x60]  }
0x11f: {  	v1 =	vsub.s32 $0x1, v1;
	v3 =	vshll.u32 v3, $0x1;
	v0 =	vcvt.s32.f32 v0;
	[tilespmem:s21+$0xC0] =	vst v4;
	v4 =	vld [tilespmem:s25+$0xFFFFFF70]  }
0x120: {  	v8 =	vshll.u32 v8, $0x1;
	v1 =	vcvt.s32.f32 v1;
	v3 =	vsub.s32 $0x1, v3;
	[tilespmem:s21+$0xFFFFFFC0] =	vst v5;
	v5 =	vld [tilespmem:s22+$0xD0]  }
0x121: {  	v8 =	vsub.s32 $0x1, v8;
	v3 =	vcvt.s32.f32 v3;
	[tilespmem:s24+$0x90] =	vst v0;
	v0 =	vshll.u32 v6, $0x1;
	v6 =	vld [tilespmem:s22+$0xFFFFFFD0]  }
0x122: {  	v8 =	vcvt.s32.f32 v8;
	[tilespmem:s24+$0xFFFFFF90] =	vst v1;
	v1 =	vld [tilespmem:s23+$0xA0];
	v0 =	vsub.s32 $0x1, v0;
	v7 =	vshll.u32 v7, $0x1  }
0x123: {  	v9 =	vld [tilespmem:s23+$0xFFFFFFA0];
	[tilespmem:s24+$0x10] =	vst v3;
	v0 =	vcvt.s32.f32 v0;
	v3 =	vsub.s32 $0x1, v7;
	v2 =	vshll.u32 v2, $0x1  }
0x124: {  	[tilespmem:s24+$0xFFFFFF10] =	vst v8;
	v7 =	vld [tilespmem:s23+$0x20];
	v3 =	vcvt.s32.f32 v3;
	v4 =	vshll.u32 v4, $0x1;
	v2 =	vsub.s32 $0x1, v2  }
0x125: {  	v8 =	vld [tilespmem:s23+$0xFFFFFF20];
	[tilespmem:s21+$0xFFFFFF40] =	vst v0;
	v0 =	vshll.u32 v5, $0x1;
	v4 =	vsub.s32 $0x1, v4;
	v2 =	vcvt.s32.f32 v2  }
0x126: {  	v5 =	vld [tilespmem:s22+$0xFFFFFF50];
	v6 =	vshll.u32 v6, $0x1;
	[tilespmem:s21+$0x40] =	vst v3;
	v0 =	vsub.s32 $0x1, v0;
	v3 =	vcvt.s32.f32 v4  }
0x127: {  	v1 =	vshll.u32 v1, $0x1;
	v4 =	vsub.s32 $0x1, v6;
	v10 =	vld [tilespmem:s22+$0x50];
	v0 =	vcvt.s32.f32 v0;
	[tilespmem:s20+$0x60] =	vst v2  }
0x128: {  	v2 =	vshll.u32 v9, $0x1;
	v1 =	vsub.s32 $0x1, v1;
	v4 =	vcvt.s32.f32 v4;
	[tilespmem:s20+$0xFFFFFF70] =	vst v3;
	v3 =	vld [tilespmem:s25+$0xFFFFFFF0]  }
0x129: {  	v2 =	vsub.s32 $0x1, v2;
	v6 =	vshll.u32 v7, $0x1;
	v1 =	vcvt.s32.f32 v1;
	[tilespmem:s21+$0xD0] =	vst v0;
	v0 =	vld [tilespmem:s25+$0x70]  }
0x12a: {  	v7 =	vshll.u32 v8, $0x1;
	v9 =	vcvt.s32.f32 v2;
	v6 =	vsub.s32 $0x1, v6;
	[tilespmem:s21+$0xFFFFFFD0] =	vst v4;
	v2 =	vld [tilespmem:s22+$0xE0]  }
0x12b: {  	v4 =	vsub.s32 $0x1, v7;
	v11 =	vcvt.s32.f32 v6;
	[tilespmem:s24+$0xA0] =	vst v1;
	v5 =	vshll.u32 v5, $0x1;
	v1 =	vld [tilespmem:s22+$0xFFFFFFE0]  }
0x12c: {  	v8 =	vcvt.s32.f32 v4;
	[tilespmem:s24+$0xFFFFFFA0] =	vst v9;
	v6 =	vld [tilespmem:s23+$0xB0];
	v4 =	vsub.s32 $0x1, v5;
	v5 =	vshll.u32 v10, $0x1  }
0x12d: {  	s19 =	sor.u32 $0x80, s19;
	s26 =	simm.s32 $0x6B00;
	s25 =	simm.s32 $0x8;
	v7 =	vld [tilespmem:s23+$0xFFFFFFB0];
	[tilespmem:s24+$0x20] =	vst v11;
	v4 =	vcvt.s32.f32 v4;
	v5 =	vsub.s32 $0x1, v5;
	v3 =	vshll.u32 v3, $0x1  }
.LBB2_5:
0x12e: {  	v9 =	vld [tilespmem:s26+$0x80];
	s25 =	sadd.s32 $0x4, s25;
	[tilespmem:s24+$0xFFFFFF20] =	vst v8;
	v5 =	vcvt.s32.f32 v5;
	v3 =	vsub.s32 $0x1, v3;
	v0 =	vshll.u32 v0, $0x1  }
0x12f: {  	v8 =	vld [tilespmem:s26+$0xFFFFFF80];
	p1 =	slt.u32 s25, $0xC4;
	[tilespmem:s21+$0xFFFFFF50] =	vst v4;
	v2 =	vshll.u32 v2, $0x1;
	v3 =	vcvt.s32.f32 v3;
	v0 =	vsub.s32 $0x1, v0  }
0x130: {  	v4 =	vld [tilespmem:s26+$0x0];
	v1 =	vshll.u32 v1, $0x1;
	[tilespmem:s21+$0x50] =	vst v5;
	v2 =	vsub.s32 $0x1, v2;
	v0 =	vcvt.s32.f32 v0  }
0x131: {  	v5 =	vld [tilespmem:s26+$0xFFFFFF00];
	v6 =	vshll.u32 v6, $0x1;
	v1 =	vsub.s32 $0x1, v1;
	v2 =	vcvt.s32.f32 v2;
	[tilespmem:s20+$0xFFFFFFF0] =	vst v3  }
0x132: {  	v3 =	vld [tilespmem:s23+$0xFFFFFF30];
	v7 =	vshll.u32 v7, $0x1;
	v6 =	vsub.s32 $0x1, v6;
	v1 =	vcvt.s32.f32 v1;
	[tilespmem:s20+$0x70] =	vst v0;
	s20 =	smov.u32 s21;
	s21 =	smov.u32 s24  }
0x133: {  	v0 =	vshll.u32 v9, $0x1;
	v7 =	vsub.s32 $0x1, v7;
	v9 =	vld [tilespmem:s23+$0x30];
	v6 =	vcvt.s32.f32 v6;
	[tilespmem:s20+$0xE0] =	vst v2  }
0x134: {  	v2 =	vshll.u32 v8, $0x1;
	v0 =	vsub.s32 $0x1, v0;
	v7 =	vcvt.s32.f32 v7;
	[tilespmem:s20+$0xFFFFFFE0] =	vst v1;
	v1 =	vld [tilespmem:s22+$0xF0]  }
0x135: {  	v2 =	vsub.s32 $0x1, v2;
	v4 =	vshll.u32 v4, $0x1;
	v0 =	vcvt.s32.f32 v0;
	[tilespmem:s24+$0xB0] =	vst v6;
	v6 =	vld [tilespmem:s22+$0xFFFFFF60]  }
0x136: {  	s24 =	sadd.s32 $0x200, s24;
	v5 =	vshll.u32 v5, $0x1;
	v2 =	vcvt.s32.f32 v2;
	v4 =	vsub.s32 $0x1, v4;
	[tilespmem:s21+$0xFFFFFFB0] =	vst v7;
	v7 =	vld [tilespmem:s23+$0xC0]  }
0x137: {  	v5 =	vsub.s32 $0x1, v5;
	v4 =	vcvt.s32.f32 v4;
	[tilespmem:s24+$0x80] =	vst v0;
	v0 =	vshll.u32 v3, $0x1;
	v3 =	vld [tilespmem:s23+$0xFFFFFFC0]  }
0x138: {  	v5 =	vcvt.s32.f32 v5;
	[tilespmem:s24+$0xFFFFFF80] =	vst v2;
	v2 =	vld [tilespmem:s26+$0x90];
	v0 =	vsub.s32 $0x1, v0;
	v8 =	vshll.u32 v9, $0x1  }
0x139: {  	v9 =	vld [tilespmem:s26+$0xFFFFFF90];
	[tilespmem:s24+$0x0] =	vst v4;
	v0 =	vcvt.s32.f32 v0;
	v4 =	vsub.s32 $0x1, v8;
	v1 =	vshll.u32 v1, $0x1  }
0x13a: {  	[tilespmem:s24+$0xFFFFFF00] =	vst v5;
	v5 =	vld [tilespmem:s26+$0x10];
	v4 =	vcvt.s32.f32 v4;
	v6 =	vshll.u32 v6, $0x1;
	v1 =	vsub.s32 $0x1, v1  }
0x13b: {  	v8 =	vld [tilespmem:s26+$0xFFFFFF10];
	[tilespmem:s21+$0xFFFFFF30] =	vst v0;
	v0 =	vshll.u32 v7, $0x1;
	v6 =	vsub.s32 $0x1, v6;
	v1 =	vcvt.s32.f32 v1  }
0x13c: {  	v7 =	vld [tilespmem:s23+$0xFFFFFF40];
	v3 =	vshll.u32 v3, $0x1;
	[tilespmem:s21+$0x30] =	vst v4;
	v0 =	vsub.s32 $0x1, v0;
	v4 =	vcvt.s32.f32 v6  }
0x13d: {  	v2 =	vshll.u32 v2, $0x1;
	v3 =	vsub.s32 $0x1, v3;
	v6 =	vld [tilespmem:s23+$0x40];
	v0 =	vcvt.s32.f32 v0;
	[tilespmem:s20+$0xF0] =	vst v1  }
0x13e: {  	v1 =	vshll.u32 v9, $0x1;
	v2 =	vsub.s32 $0x1, v2;
	v3 =	vcvt.s32.f32 v3;
	[tilespmem:s20+$0xFFFFFF60] =	vst v4;
	v4 =	vld [tilespmem:s22+$0x60]  }
0x13f: {  	v1 =	vsub.s32 $0x1, v1;
	v5 =	vshll.u32 v5, $0x1;
	v2 =	vcvt.s32.f32 v2;
	[tilespmem:s21+$0xC0] =	vst v0;
	v0 =	vld [tilespmem:s22+$0xFFFFFF70]  }
0x140: {  	v8 =	vshll.u32 v8, $0x1;
	v1 =	vcvt.s32.f32 v1;
	v5 =	vsub.s32 $0x1, v5;
	[tilespmem:s21+$0xFFFFFFC0] =	vst v3;
	v3 =	vld [tilespmem:s23+$0xD0]  }
0x141: {  	v8 =	vsub.s32 $0x1, v8;
	v5 =	vcvt.s32.f32 v5;
	[tilespmem:s24+$0x90] =	vst v2;
	v2 =	vshll.u32 v7, $0x1;
	v7 =	vld [tilespmem:s23+$0xFFFFFFD0]  }
0x142: {  	v8 =	vcvt.s32.f32 v8;
	[tilespmem:s24+$0xFFFFFF90] =	vst v1;
	v1 =	vld [tilespmem:s26+$0xA0];
	v2 =	vsub.s32 $0x1, v2;
	v6 =	vshll.u32 v6, $0x1  }
0x143: {  	v9 =	vld [tilespmem:s26+$0xFFFFFFA0];
	[tilespmem:s24+$0x10] =	vst v5;
	v2 =	vcvt.s32.f32 v2;
	v5 =	vsub.s32 $0x1, v6;
	v4 =	vshll.u32 v4, $0x1  }
0x144: {  	[tilespmem:s24+$0xFFFFFF10] =	vst v8;
	v6 =	vld [tilespmem:s26+$0x20];
	v5 =	vcvt.s32.f32 v5;
	v0 =	vshll.u32 v0, $0x1;
	v4 =	vsub.s32 $0x1, v4  }
0x145: {  	v8 =	vld [tilespmem:s26+$0xFFFFFF20];
	[tilespmem:s21+$0xFFFFFF40] =	vst v2;
	v2 =	vshll.u32 v3, $0x1;
	v0 =	vsub.s32 $0x1, v0;
	v3 =	vcvt.s32.f32 v4  }
0x146: {  	v4 =	vld [tilespmem:s23+$0xFFFFFF50];
	v7 =	vshll.u32 v7, $0x1;
	[tilespmem:s21+$0x40] =	vst v5;
	v2 =	vsub.s32 $0x1, v2;
	v0 =	vcvt.s32.f32 v0  }
0x147: {  	v1 =	vshll.u32 v1, $0x1;
	v5 =	vsub.s32 $0x1, v7;
	v7 =	vld [tilespmem:s23+$0x50];
	v2 =	vcvt.s32.f32 v2;
	[tilespmem:s20+$0x60] =	vst v3  }
0x148: {  	v3 =	vshll.u32 v9, $0x1;
	v1 =	vsub.s32 $0x1, v1;
	v5 =	vcvt.s32.f32 v5;
	[tilespmem:s20+$0xFFFFFF70] =	vst v0;
	v9 =	vld [tilespmem:s22+$0xFFFFFFF0]  }
.Ltmp3:
0x149: {  	v3 =	vsub.s32 $0x1, v3;
	v6 =	vshll.u32 v6, $0x1;
	v1 =	vcvt.s32.f32 v1;
	[tilespmem:s21+$0xD0] =	vst v2;
	v0 =	vld [tilespmem:s22+$0x70];
	s22 =	smov.u32 s23;
	s23 =	smov.u32 s26;
	(pc) =	sbr.rel @p1 .LBB2_5-.Ltmp3, $4  }
0x14a: {  	v8 =	vshll.u32 v8, $0x1;
	v3 =	vcvt.s32.f32 v3;
	v6 =	vsub.s32 $0x1, v6;
	[tilespmem:s21+$0xFFFFFFD0] =	vst v5;
	v2 =	vld [tilespmem:s22+$0xE0]  }
0x14b: {  	v5 =	vsub.s32 $0x1, v8;
	v10 =	vcvt.s32.f32 v6;
	[tilespmem:s24+$0xA0] =	vst v1;
	v4 =	vshll.u32 v4, $0x1;
	v1 =	vld [tilespmem:s22+$0xFFFFFFE0]  }
0x14c: {  	v8 =	vcvt.s32.f32 v5;
	[tilespmem:s24+$0xFFFFFFA0] =	vst v3;
	v6 =	vld [tilespmem:s26+$0xB0];
	v3 =	vsub.s32 $0x1, v4;
	v5 =	vshll.u32 v7, $0x1  }
0x14d: {  	s26 =	sadd.s32 $0x200, s26;
	v7 =	vld [tilespmem:s23+$0xFFFFFFB0];
	[tilespmem:s24+$0x20] =	vst v10;
	v4 =	vcvt.s32.f32 v3;
	v5 =	vsub.s32 $0x1, v5;
	v3 =	vshll.u32 v9, $0x1  }
0x14e: {  	[tilespmem:s24+$0xFFFFFF20] =	vst v8;
	v9 =	vld [tilespmem:s23+$0x30]  }
0x14f: {  	v8 =	vld [tilespmem:s23+$0xFFFFFF30];
	_ =	sdelay $0x1  }
0x150: {  	v6 =	vshll.u32 v6, $0x1  }
0x151: {  	v6 =	vsub.s32 $0x1, v6;
	v7 =	vshll.u32 v7, $0x1  }
0x152: {  	v6 =	vcvt.s32.f32 v6;
	v7 =	vsub.s32 $0x1, v7;
	v9 =	vshll.u32 v9, $0x1  }
0x153: {  	v8 =	vshll.u32 v8, $0x1;
	v7 =	vcvt.s32.f32 v7;
	v22 =	vsub.s32 $0x1, v9  }
0x154: {  	v8 =	vsub.s32 $0x1, v8;
	[tilespmem:s24+$0xB0] =	vst v6;
	v6 =	vcvt.s32.f32 v22  }
0x155: {  	v8 =	vcvt.s32.f32 v8;
	v23 =	vld [tilespmem:s23+$0xC0];
	[tilespmem:s24+$0xFFFFFFB0] =	vst v7  }
0x156: {  	v25 =	vld [tilespmem:s23+$0xFFFFFFC0];
	[tilespmem:s24+$0x30] =	vst v6  }
0x157: {  	[tilespmem:s24+$0xFFFFFF30] =	vst v8;
	v6 =	vld [tilespmem:s23+$0x40]  }
0x158: {  	v24 =	vld [tilespmem:s23+$0xFFFFFF40];
	_ =	sdelay $0x1  }
0x159: {  	v9 =	vshll.u32 v23, $0x1  }
0x15a: {  	v9 =	vsub.s32 $0x1, v9;
	v8 =	vshll.u32 v25, $0x1  }
0x15b: {  	v9 =	vcvt.s32.f32 v9;
	v8 =	vsub.s32 $0x1, v8;
	v6 =	vshll.u32 v6, $0x1  }
0x15c: {  	v7 =	vshll.u32 v24, $0x1;
	v8 =	vcvt.s32.f32 v8;
	v6 =	vsub.s32 $0x1, v6  }
0x15d: {  	v7 =	vsub.s32 $0x1, v7;
	[tilespmem:s24+$0xC0] =	vst v9;
	v6 =	vcvt.s32.f32 v6  }
0x15e: {  	v7 =	vcvt.s32.f32 v7;
	v9 =	vld [tilespmem:s23+$0xD0];
	[tilespmem:s24+$0xFFFFFFC0] =	vst v8  }
0x15f: {  	v8 =	vld [tilespmem:s23+$0xFFFFFFD0];
	[tilespmem:s24+$0x40] =	vst v6  }
0x160: {  	[tilespmem:s24+$0xFFFFFF40] =	vst v7;
	v6 =	vld [tilespmem:s23+$0x50]  }
0x161: {  	v7 =	vld [tilespmem:s23+$0xFFFFFF50]  }
0x162: {  	v5 =	vcvt.s32.f32 v5  }
0x163: {  	v9 =	vshll.u32 v9, $0x1  }
0x164: {  	[tilespmem:s21+$0x50] =	vst v5;
	v26 =	vsub.s32 $0x1, v9;
	v8 =	vshll.u32 v8, $0x1  }
0x165: {  	[tilespmem:s21+$0xFFFFFF50] =	vst v4;
	v29 =	vld [tilespmem:s22+$0x60];
	v4 =	vcvt.s32.f32 v26;
	v28 =	vsub.s32 $0x1, v8;
	v6 =	vshll.u32 v6, $0x1  }
0x166: {  	v27 =	vld [tilespmem:s22+$0xFFFFFF60];
	v7 =	vshll.u32 v7, $0x1;
	v5 =	vcvt.s32.f32 v28;
	v30 =	vsub.s32 $0x1, v6  }
0x167: {  	v7 =	vsub.s32 $0x1, v7;
	[tilespmem:s24+$0xD0] =	vst v4;
	v4 =	vcvt.s32.f32 v30  }
0x168: {  	v2 =	vshll.u32 v2, $0x1;
	v7 =	vcvt.s32.f32 v7;
	v31 =	vld [tilespmem:s23+$0xE0];
	[tilespmem:s24+$0xFFFFFFD0] =	vst v5  }
0x169: {  	v2 =	vsub.s32 $0x1, v2;
	v1 =	vshll.u32 v1, $0x1;
	v34 =	vld [tilespmem:s23+$0xFFFFFFE0];
	[tilespmem:s24+$0x50] =	vst v4  }
0x16a: {  	v2 =	vcvt.s32.f32 v2;
	v1 =	vsub.s32 $0x1, v1;
	v8 =	vshll.u32 v29, $0x1;
	[tilespmem:s24+$0xFFFFFF50] =	vst v7;
	v36 =	vld [tilespmem:s23+$0x60]  }
0x16b: {  	v1 =	vcvt.s32.f32 v1;
	v33 =	vshll.u32 v27, $0x1;
	v37 =	vsub.s32 $0x1, v8;
	v32 =	vld [tilespmem:s23+$0xFFFFFF60]  }
0x16c: {  	[tilespmem:s21+$0xE0] =	vst v2;
	v35 =	vsub.s32 $0x1, v33;
	v2 =	vcvt.s32.f32 v37  }
0x16d: {  	v38 =	vld [tilespmem:s22+$0xF0];
	[tilespmem:s21+$0xFFFFFFE0] =	vst v1;
	v4 =	vcvt.s32.f32 v35;
	v6 =	vshll.u32 v31, $0x1  }
0x16e: {  	v3 =	vsub.s32 $0x1, v3;
	v41 =	vld [tilespmem:s22+$0xFFFFFFF0];
	[tilespmem:s21+$0x60] =	vst v2;
	v6 =	vsub.s32 $0x1, v6;
	v40 =	vshll.u32 v34, $0x1  }
0x16f: {  	v42 =	vld [tilespmem:s22+$0x70];
	[tilespmem:s21+$0xFFFFFF60] =	vst v4;
	v6 =	vcvt.s32.f32 v6;
	v8 =	vsub.s32 $0x1, v40;
	v7 =	vshll.u32 v36, $0x1  }
0x170: {  	v39 =	vld [tilespmem:s22+$0xFFFFFF70];
	v5 =	vshll.u32 v32, $0x1;
	v8 =	vcvt.s32.f32 v8;
	v7 =	vsub.s32 $0x1, v7  }
0x171: {  	v0 =	vshll.u32 v0, $0x1;
	v5 =	vsub.s32 $0x1, v5;
	[tilespmem:s24+$0xE0] =	vst v6;
	v7 =	vcvt.s32.f32 v7  }
0x172: {  	v3 =	vcvt.s32.f32 v3;
	v0 =	vsub.s32 $0x1, v0;
	v5 =	vcvt.s32.f32 v5;
	v43 =	vld [tilespmem:s23+$0xF0];
	[tilespmem:s24+$0xFFFFFFE0] =	vst v8  }
0x173: {  	v0 =	vcvt.s32.f32 v0;
	v2 =	vshll.u32 v41, $0x1;
	v4 =	vshll.u32 v38, $0x1;
	[tilespmem:s24+$0x60] =	vst v7;
	v45 =	vld [tilespmem:s23+$0xFFFFFFF0]  }
0x174: {  	v49 =	vsub.s32 $0x1, v2;
	v4 =	vsub.s32 $0x1, v4;
	v50 =	vshll.u32 v42, $0x1;
	[tilespmem:s24+$0xFFFFFF60] =	vst v5;
	v47 =	vld [tilespmem:s23+$0x70]  }
0x175: {  	[tilespmem:s20+$0xFFFFFFF0] =	vst v3;
	v46 =	vcvt.s32.f32 v4;
	v2 =	vsub.s32 $0x1, v50;
	v1 =	vshll.u32 v39, $0x1;
	v44 =	vld [tilespmem:s23+$0xFFFFFF70]  }
0x176: {  	[tilespmem:s20+$0x70] =	vst v0;
	v52 =	vcvt.s32.f32 v2;
	v1 =	vsub.s32 $0x1, v1  }
0x177: {  	[tilespmem:s21+$0xF0] =	vst v46;
	v48 =	vcvt.s32.f32 v1;
	v51 =	vshll.u32 v43, $0x1  }
0x178: {  	v1 =	vcvt.s32.f32 v49;
	[tilespmem:s21+$0x70] =	vst v52;
	v53 =	vsub.s32 $0x1, v51;
	v57 =	vshll.u32 v45, $0x1  }
0x179: {  	[tilespmem:s21+$0xFFFFFF70] =	vst v48;
	v55 =	vcvt.s32.f32 v53;
	v59 =	vsub.s32 $0x1, v57;
	v60 =	vshll.u32 v47, $0x1  }
0x17a: {  	[tilespmem:s21+$0xFFFFFFF0] =	vst v1;
	v54 =	vshll.u32 v44, $0x1;
	v61 =	vcvt.s32.f32 v59;
	v62 =	vsub.s32 $0x1, v60  }
.Ltmp4:
0x17b: {  	v56 =	vsub.s32 $0x1, v54;
	[tilespmem:s24+$0xF0] =	vst v55;
	v63 =	vcvt.s32.f32 v62;
	(pc) =	sbr.rel @!p0 .LBB2_8-.Ltmp4, $4  }
0x17c: {  	v58 =	vcvt.s32.f32 v56;
	[tilespmem:s24+$0xFFFFFFF0] =	vst v61  }
0x17d: {  	[tilespmem:s24+$0x70] =	vst v63  }
0x17e: {  	s19 =	sadd.s32 s19, s5;
	[tilespmem:s24+$0xFFFFFF70] =	vst v58  }
0x17f: {  	[hbm4b:s19+s9] =	stream.strided.scatter [tilespmem:s15], [sflag:$0x4], $0x6400, s10, s9, $0x38;
	[tilespmem:$0x19000] =	vst v63  }
.Ltmp5:
0x180: {  	(pc) =	sbr.rel .LBB2_2-.Ltmp5, $3  }
0x181: {  	_ =	sdelay $0x1  }
0x182: {  	s19 =	simm.s32 $0x100  }
0x183: {  	p0 =	por $0x0, $0x0;
	p1 =	por $0x1, $0x1;
	s20 =	smov.u32 s7  }
.LBB2_9:
0x184: {  	_ =	sfence.sel $0x180000  }
0x185: {  	[bflag:$0x0] =	sbarrier.arrive $0xFFFF  }
0x186: {  	p0 =	sne.s32 s1, $0x0;
	_ =	strace $0x90000047  }
0x187: {  	s0 =	sadd.s32 @!p0 $0x100000, s0;
	[bflag:$0x2] =	sbarrier.arrive $0xFFFF  }
0x188: {  	[sflag:s0] =	ssyncadd.tile.s32 @!p0 $0x1;
	_ =	shalt  }
.Lfunc_end2:
_tile_overlayer_lowered:
.L_overlay_start_2:
0x189: {  	(tag) =	ssettag $0x2  }
0x18a: {  	s0 =	rddreg [dreg:$0x0];
	s2 =	stileid.u32  }
0x18b: {  	s1 =	rddreg [dreg:$0x1];
	p0 =	sne.s32 s2, $0x0  }
0x18c: {  	s3 =	rddreg [dreg:$0x2];
	[bflag:$0x3] =	sbarrier.arrive $0xFFFF;
	s2 =	simm.s32 @!p0 $0x1C05  }
0x18d: {  	[timem:s3], [sflag:s2] =	dma.local @!p0 [hbm:s0], s1  }
0x18e: {  	s0 =	simm.s32 @!p0 $0x5  }
0x18f: {  	_ =	swait.ge @!p0 [sflag:s0], s1  }
0x190: {  	s1 =	ssub.s32 @!p0 $0x0, s1;
	[sflag:s0] =	ssyncset.done @!p0 $0x0  }
0x191: {  	[sflag:s0] =	ssyncadd.s32 @!p0 s1  }
0x192: {  	[bflag:$0x3] =	sbarrier.arrive $0xFFFF  }
0x193: {  	_ =	shalt  }

</sc_bundles>
